<compile_context>
chip_gen: v7x
topology: tpu7x:2x2x1
jax: 0.10.2.dev20260603
libtpu: 0.0.44.dev20260713+nightly
codegen_flags: <defaults>
</compile_context>

<pallas_src>
import functools

import jax
import jax.numpy as jnp
from jax import lax
from jax.experimental import pallas as pl
from jax.experimental.pallas import tpu as pltpu
from jax.experimental.pallas import tpu_sc as plsc

H = 128
K = 3
QB = 1024
PB = 2000
NEG = -3e38


LOG2E = 1.4426950408889634


def _tc_body(sess_ref, pool_ref, idx_ref, tout_ref,
             v1, v2, v3, v4, i1, i2, i3, i4, tsum):
    pi = pl.program_id(1)
    np_total = pl.num_programs(1)

    @pl.when(pi == 0)
    def _init():
        neg = jnp.full(v1.shape, NEG, jnp.float32)
        v1[...] = neg
        v2[...] = neg
        v3[...] = neg
        v4[...] = neg
        zi = jnp.zeros(i1.shape, jnp.float32)
        i1[...] = zi
        i2[...] = zi
        i3[...] = zi
        i4[...] = zi
        tsum[...] = jnp.zeros(tsum.shape, jnp.float32)

    qt = sess_ref[...]
    k = pool_ref[...]
    fz = lax.dot_general(k.astype(jnp.bfloat16), qt.astype(jnp.bfloat16),
                         (((1,), (0,)), ((), ())),
                         preferred_element_type=jnp.float32)
    rfr = 1.0 / jnp.sqrt(jnp.sum(k * k + 1e-6, axis=1, keepdims=True))
    rfl = LOG2E / jnp.sqrt(jnp.sum(qt * qt + 1e-6, axis=0, keepdims=True))
    s = fz * rfr
    row = lax.broadcasted_iota(jnp.int32, s.shape, 0).astype(jnp.float32)

    tsum[...] += jnp.sum(jnp.exp2(s * rfl), axis=0, keepdims=True)

    work = s
    for t in range(K + 1):
        m = jnp.max(work, axis=0, keepdims=True)
        a = jnp.min(jnp.where(work == m, row, float(PB)),
                    axis=0, keepdims=True)
        g = a + jnp.float32(pi * PB)
        if t < K:
            work = jnp.where(row == a, NEG, work)
        gt1 = m > v1[...]
        gt2 = m > v2[...]
        gt3 = m > v3[...]
        gt4 = m > v4[...]
        v4[...] = jnp.where(gt3, v3[...], jnp.where(gt4, m, v4[...]))
        i4[...] = jnp.where(gt3, i3[...], jnp.where(gt4, g, i4[...]))
        v3[...] = jnp.where(gt2, v2[...], jnp.where(gt3, m, v3[...]))
        i3[...] = jnp.where(gt2, i2[...], jnp.where(gt3, g, i3[...]))
        v2[...] = jnp.where(gt1, v1[...], jnp.where(gt2, m, v2[...]))
        i2[...] = jnp.where(gt1, i1[...], jnp.where(gt2, g, i2[...]))
        v1[...] = jnp.where(gt1, m, v1[...])
        i1[...] = jnp.where(gt1, g, i1[...])

    @pl.when(pi == np_total - 1)
    def _fin():
        tout_ref[...] = tsum[...]
        idx_ref[...] = jnp.concatenate(
            [i1[...], i2[...], i3[...], i4[...]], axis=0).astype(jnp.int32)


def _topk_call(sess_t, pool_emb):
    h, nq = sess_t.shape
    grid = (nq // QB, pool_emb.shape[0] // PB)
    return pl.pallas_call(
        _tc_body,
        grid=grid,
        in_specs=[
            pl.BlockSpec((h, QB), lambda qi, pi: (0, qi)),
            pl.BlockSpec((PB, h), lambda qi, pi: (pi, 0)),
        ],
        out_specs=[
            pl.BlockSpec((K + 1, QB), lambda qi, pi: (0, qi)),
            pl.BlockSpec((1, QB), lambda qi, pi: (0, qi)),
        ],
        out_shape=[
            jax.ShapeDtypeStruct((K + 1, nq), jnp.int32),
            jax.ShapeDtypeStruct((1, nq), jnp.float32),
        ],
        scratch_shapes=[pltpu.VMEM((1, QB), jnp.float32)] * 9,
        compiler_params=pltpu.CompilerParams(
            dimension_semantics=("arbitrary", "arbitrary")),
    )(sess_t, pool_emb)


def _sc_body(g_per_w, nc, pool_hbm, idx_hbm, w_hbm, outg_hbm, outn_hbm,
             idx_v, rows_v, acc_v, w_v, sem):
    wid = lax.axis_index("s") * nc + lax.axis_index("c")
    pltpu.sync_copy(idx_hbm.at[wid], idx_v)
    pltpu.sync_copy(w_hbm.at[pl.ds(g_per_w * wid, g_per_w)], w_v)
    copies = [
        pltpu.async_copy(pool_hbm.at[idx_v.at[j]],
                         rows_v.at[pl.ds(j * 128, 128)], sem)
        for j in range(K)
    ]
    for c in copies:
        c.wait()
    pltpu.sync_copy(rows_v, outg_hbm.at[pl.ds(g_per_w * wid, g_per_w)])

    def row_body(r, carry):
        for grp in range(H // 16):
            sl = pl.ds(grp * 16, 16)
            acc = (w_v[K * r, sl] * rows_v[K * r, sl]
                   + w_v[K * r + 1, sl] * rows_v[K * r + 1, sl]
                   + w_v[K * r + 2, sl] * rows_v[K * r + 2, sl])
            acc_v[r, sl] = acc
        return carry

    lax.fori_loop(0, g_per_w // K, row_body, 0)
    pltpu.sync_copy(acc_v, outn_hbm.at[pl.ds((g_per_w // K) * wid,
                                             g_per_w // K)])


def _sc_gather4_body(g_per_w, nc, pool_hbm, idx_hbm, out_hbm,
                     idx_v, rows_v, sem):
    wid = lax.axis_index("s") * nc + lax.axis_index("c")
    pltpu.sync_copy(idx_hbm.at[wid], idx_v)
    copies = [
        pltpu.async_copy(pool_hbm.at[idx_v.at[j]],
                         rows_v.at[pl.ds(j * 128, 128)], sem)
        for j in range(K + 1)
    ]
    for c in copies:
        c.wait()
    pltpu.sync_copy(rows_v, out_hbm.at[pl.ds(g_per_w * wid, g_per_w)])


def _gather4_call(pool_emb, idx4):
    nq = idx4.shape[0]
    h = pool_emb.shape[1]
    info = plsc.get_sparse_core_info()
    nc, ns = info.num_cores, info.num_subcores
    nw = nc * ns
    g_per_w = (nq * (K + 1)) // nw
    idx3d = idx4.reshape(nw, K + 1, 128)
    mesh = plsc.VectorSubcoreMesh(core_axis_name="c", subcore_axis_name="s")
    kfn = functools.partial(
        pl.kernel,
        mesh=mesh,
        out_type=jax.ShapeDtypeStruct((nq * (K + 1), h), jnp.float32),
        scratch_types=[
            pltpu.VMEM((K + 1, 128), jnp.int32),
            pltpu.VMEM((g_per_w, h), jnp.float32),
            pltpu.SemaphoreType.DMA,
        ],
    )(functools.partial(_sc_gather4_body, g_per_w, nc))
    return kfn(pool_emb, idx3d)


def _gather_call(pool_emb, topk_idx, cos_topk):
    nq = topk_idx.shape[0]
    h = pool_emb.shape[1]
    info = plsc.get_sparse_core_info()
    nc, ns = info.num_cores, info.num_subcores
    nw = nc * ns
    g_per_w = (nq * K) // nw
    idx3d = topk_idx.reshape(nw, K, 128)
    w_rep = jnp.broadcast_to(cos_topk.reshape(-1, 1), (nq * K, h))
    mesh = plsc.VectorSubcoreMesh(core_axis_name="c", subcore_axis_name="s")
    kfn = functools.partial(
        pl.kernel,
        mesh=mesh,
        out_type=[
            jax.ShapeDtypeStruct((nq * K, h), jnp.float32),
            jax.ShapeDtypeStruct((nq, h), jnp.float32),
        ],
        scratch_types=[
            pltpu.VMEM((K, 128), jnp.int32),
            pltpu.VMEM((g_per_w, h), jnp.float32),
            pltpu.VMEM((g_per_w // K, h), jnp.float32),
            pltpu.VMEM((g_per_w, h), jnp.float32),
            pltpu.SemaphoreType.DMA,
        ],
    )(functools.partial(_sc_body, g_per_w, nc))
    return kfn(pool_emb, idx3d, w_rep)


def kernel(sess_emb, pool_emb):
    nq = sess_emb.shape[0]
    idx4_t, tsum = _topk_call(sess_emb.T, pool_emb)
    idx4 = idx4_t.T

    rows4 = _gather4_call(pool_emb, idx4)
    g4 = rows4.reshape(nq, K + 1, H)
    fzc = jnp.einsum("qd,qkd->qk", sess_emb, g4,
                     preferred_element_type=jnp.float32)
    fl = jnp.sqrt(jnp.sum(sess_emb * sess_emb + 1e-6, axis=1))
    frc = jnp.sqrt(jnp.sum(g4 * g4 + 1e-6, axis=2))
    cosc = fzc / (fl[:, None] * frc)
    m0 = jnp.max(cosc, axis=1, keepdims=True)
    e = jnp.exp(cosc - m0)
    order = jnp.lexsort((idx4, -e), axis=1)[:, :K]
    topk_idx = jnp.take_along_axis(idx4, order, axis=1)
    p3 = jnp.take_along_axis(e, order, axis=1) * (
        jnp.exp2(m0[:, 0] * LOG2E) / tsum[0])[:, None]
    cos_topk = jax.nn.softmax(p3, axis=-1)

    gathered, neighbor = _gather_call(pool_emb, topk_idx, cos_topk)
    sess_topk = gathered.reshape(nq, K, H)
    return (neighbor, cos_topk, sess_topk)

# --- scband reference (transcript-rebuilt; emitter-appended) ---
"""Pipeline reference for scband-find-similar-intent-sess-84670985274059 (READ-ONLY COPY).

The authoritative reference and input builder live on the scoring server;
editing this copy changes nothing except your own understanding.
"""

import jax, jax.numpy as jnp
import numpy as np

HIDDEN_SIZE = 128
NEIGHBOR_N = 3


def setup_inputs(seed: int = 0) -> dict:
    key = jax.random.key(seed)
    k1, k2 = jax.random.split(key)
    sess_emb = jax.random.normal(k1, (4096, HIDDEN_SIZE), dtype=jnp.float32)
    pool_emb = jax.random.normal(k2, (100000, HIDDEN_SIZE), dtype=jnp.float32)
    return {"sess_emb": sess_emb, "pool_emb": pool_emb}


def _compute_sim(sess_emb, pool_emb):
    fenzi = jnp.matmul(sess_emb, pool_emb.T)
    fenmu_l = jnp.sqrt(jnp.sum(sess_emb * sess_emb + 1e-06, axis=1))[:, None]
    fenmu_r = jnp.sqrt(jnp.sum(pool_emb * pool_emb + 1e-06, axis=1))[None, :]
    fenmu = jnp.matmul(fenmu_l, fenmu_r)
    cos_sim = fenzi / fenmu
    return jax.nn.softmax(cos_sim, axis=-1)


def reference(sess_emb, pool_emb):
    k_v = NEIGHBOR_N
    cos_sim = _compute_sim(sess_emb, pool_emb)
    if cos_sim.shape[0] < k_v:
        k_v = cos_sim.shape[0]
    cos_topk, topk_indice = jax.lax.top_k(cos_sim, k_v)
    cos_topk = jax.nn.softmax(cos_topk, axis=-1)
    sess_topk = jnp.take(pool_emb, topk_indice, axis=0)
    w = jnp.broadcast_to(cos_topk[:, :, None], (cos_topk.shape[0], cos_topk.shape[1], HIDDEN_SIZE))
    neighbor_sess = jnp.sum(w * sess_topk, axis=1)
    # dropout (p=0.4) is identity in eval mode
    return (neighbor_sess, cos_topk, sess_topk)

if __name__ == "__main__":
    import jax
    _d = setup_inputs()
    print(jax.jit(kernel)(*tuple(_d.values())))

</pallas_src>

<mosaic_0001>
#map = affine_map<(d0, d1) -> (0, 0)>
#map1 = affine_map<(d0, d1) -> (0, 0, 0)>
module attributes {stable_mosaic.version = 14 : i64} {
  func.func @_sc_gather4_body(%arg0: i32, %arg1: i32, %arg2: memref<100000x128xf32, #tpu.memory_space<hbm>>, %arg3: memref<32x4x128xi32, #tpu.memory_space<hbm>>, %arg4: memref<16384x128xf32, #tpu.memory_space<hbm>>, %arg5: memref<4x128xi32, #tpu.memory_space<vmem>>, %arg6: memref<512x128xf32, #tpu.memory_space<vmem>>, %arg7: memref<!tpu.dma_semaphore, #tpu.memory_space<semaphore_mem>>) attributes {dimension_semantics = [#tpu.dimension_semantics<core_parallel>, #tpu.dimension_semantics<subcore_parallel>], iteration_bounds = array<i64: 2, 16>, scalar_prefetch = 0 : i64, scratch_operands = 3 : i64, tpu.core_type = #tpu.core_type<sc_vector_subcore>, window_params = [{transform_indices = #map}, {transform_indices = #map1}, {transform_indices = #map}]} {
    %mul3A = arith.constant 2 : i32
    %mul3A_0 = arith.muli %arg1, %mul3A : i32
    %add3A = arith.addi %mul3A_0, %arg0 : i32
    "tpu.region"() ({
      %run_scoped3A = tpu.sem_alloc : memref<!tpu.dma_semaphore, #tpu.memory_space<semaphore_mem>>
      %dma_start3A_81 = arith.constant 0 : i32
      %dma_start3A_82 = arith.constant 0 : i32
      %dma_start3A_83 = tpu.memref_slice %arg3[%add3A, %dma_start3A_81, %dma_start3A_82] : memref<32x4x128xi32, #tpu.memory_space<hbm>> -> memref<1x4x128xi32, #tpu.memory_space<hbm>>
      %dma_start3A_84 = tpu.memref_squeeze %dma_start3A_83 : memref<1x4x128xi32, #tpu.memory_space<hbm>> -> memref<4x128xi32, #tpu.memory_space<hbm>>
      %dma_start3A_85 = arith.constant 0 : i32
      %dma_start3A_86 = arith.constant 0 : i32
      %dma_start3A_87 = tpu.memref_slice %arg3[%add3A, %dma_start3A_85, %dma_start3A_86] : memref<32x4x128xi32, #tpu.memory_space<hbm>> -> memref<1x4x128xi32, #tpu.memory_space<hbm>>
      %dma_start3A_88 = tpu.memref_squeeze %dma_start3A_87 : memref<1x4x128xi32, #tpu.memory_space<hbm>> -> memref<4x128xi32, #tpu.memory_space<hbm>>
      tpu.enqueue_dma source(%dma_start3A_88 : memref<4x128xi32, #tpu.memory_space<hbm>>) target(%arg5 : memref<4x128xi32, #tpu.memory_space<vmem>>) target_semaphore(%run_scoped3A : memref<!tpu.dma_semaphore, #tpu.memory_space<semaphore_mem>>)
      %dma_wait3A_89 = arith.constant 0 : i32
      %dma_wait3A_90 = arith.constant 0 : i32
      %dma_wait3A_91 = tpu.memref_slice %arg3[%add3A, %dma_wait3A_89, %dma_wait3A_90] : memref<32x4x128xi32, #tpu.memory_space<hbm>> -> memref<1x4x128xi32, #tpu.memory_space<hbm>>
      %dma_wait3A_92 = tpu.memref_squeeze %dma_wait3A_91 : memref<1x4x128xi32, #tpu.memory_space<hbm>> -> memref<4x128xi32, #tpu.memory_space<hbm>>
      %dma_wait3A_93 = arith.constant 0 : i32
      %dma_wait3A_94 = arith.constant 0 : i32
      %dma_wait3A_95 = tpu.memref_slice %arg3[%add3A, %dma_wait3A_93, %dma_wait3A_94] : memref<32x4x128xi32, #tpu.memory_space<hbm>> -> memref<1x4x128xi32, #tpu.memory_space<hbm>>
      %dma_wait3A_96 = tpu.memref_squeeze %dma_wait3A_95 : memref<1x4x128xi32, #tpu.memory_space<hbm>> -> memref<4x128xi32, #tpu.memory_space<hbm>>
      tpu.wait_dma2 semaphore(%run_scoped3A : memref<!tpu.dma_semaphore, #tpu.memory_space<semaphore_mem>>) src(%dma_wait3A_96 : memref<4x128xi32, #tpu.memory_space<hbm>>) dst(%arg5 : memref<4x128xi32, #tpu.memory_space<vmem>>)
      tpu.yield
    }) : () -> ()
    %dma_start3A = arith.constant 0 : i32
    %dma_start3A_1 = arith.constant 0 : i32
    %dma_start3A_2 = arith.constant 0 : i32
    %dma_start3A_3 = tpu.memref_slice %arg6[%dma_start3A_1, %dma_start3A_2] : memref<512x128xf32, #tpu.memory_space<vmem>> -> memref<128x128xf32, #tpu.memory_space<vmem>>
    %dma_start3A_4 = arith.constant 0 : i32
    %dma_start3A_5 = tpu.memref_slice %arg5[%dma_start3A, %dma_start3A_4] : memref<4x128xi32, #tpu.memory_space<vmem>> -> memref<1x128xi32, #tpu.memory_space<vmem>>
    %dma_start3A_6 = tpu.memref_squeeze %dma_start3A_5 : memref<1x128xi32, #tpu.memory_space<vmem>> -> memref<128xi32, #tpu.memory_space<vmem>>
    %dma_start3A_7 = arith.constant 0 : i32
    %dma_start3A_8 = arith.constant 0 : i32
    %dma_start3A_9 = tpu.memref_slice %arg2[%dma_start3A_7, %dma_start3A_8] : memref<100000x128xf32, #tpu.memory_space<hbm>> -> memref<100000x128xf32, #tpu.memory_space<hbm>>
    tpu.enqueue_indirect_dma source(%dma_start3A_9 : memref<100000x128xf32, #tpu.memory_space<hbm>>) target(%dma_start3A_3 : memref<128x128xf32, #tpu.memory_space<vmem>>) offsets(%dma_start3A_6 : memref<128xi32, #tpu.memory_space<vmem>>) semaphore(%arg7 : memref<!tpu.dma_semaphore, #tpu.memory_space<semaphore_mem>>)
    %dma_start3A_10 = arith.constant 1 : i32
    %dma_start3A_11 = arith.constant 128 : i32
    %dma_start3A_12 = arith.constant 0 : i32
    %dma_start3A_13 = tpu.memref_slice %arg6[%dma_start3A_11, %dma_start3A_12] : memref<512x128xf32, #tpu.memory_space<vmem>> -> memref<128x128xf32, #tpu.memory_space<vmem>>
    %dma_start3A_14 = arith.constant 0 : i32
    %dma_start3A_15 = tpu.memref_slice %arg5[%dma_start3A_10, %dma_start3A_14] : memref<4x128xi32, #tpu.memory_space<vmem>> -> memref<1x128xi32, #tpu.memory_space<vmem>>
    %dma_start3A_16 = tpu.memref_squeeze %dma_start3A_15 : memref<1x128xi32, #tpu.memory_space<vmem>> -> memref<128xi32, #tpu.memory_space<vmem>>
    %dma_start3A_17 = arith.constant 0 : i32
    %dma_start3A_18 = arith.constant 0 : i32
    %dma_start3A_19 = tpu.memref_slice %arg2[%dma_start3A_17, %dma_start3A_18] : memref<100000x128xf32, #tpu.memory_space<hbm>> -> memref<100000x128xf32, #tpu.memory_space<hbm>>
    tpu.enqueue_indirect_dma source(%dma_start3A_19 : memref<100000x128xf32, #tpu.memory_space<hbm>>) target(%dma_start3A_13 : memref<128x128xf32, #tpu.memory_space<vmem>>) offsets(%dma_start3A_16 : memref<128xi32, #tpu.memory_space<vmem>>) semaphore(%arg7 : memref<!tpu.dma_semaphore, #tpu.memory_space<semaphore_mem>>)
    %dma_start3A_20 = arith.constant 2 : i32
    %dma_start3A_21 = arith.constant 256 : i32
    %dma_start3A_22 = arith.constant 0 : i32
    %dma_start3A_23 = tpu.memref_slice %arg6[%dma_start3A_21, %dma_start3A_22] : memref<512x128xf32, #tpu.memory_space<vmem>> -> memref<128x128xf32, #tpu.memory_space<vmem>>
    %dma_start3A_24 = arith.constant 0 : i32
    %dma_start3A_25 = tpu.memref_slice %arg5[%dma_start3A_20, %dma_start3A_24] : memref<4x128xi32, #tpu.memory_space<vmem>> -> memref<1x128xi32, #tpu.memory_space<vmem>>
    %dma_start3A_26 = tpu.memref_squeeze %dma_start3A_25 : memref<1x128xi32, #tpu.memory_space<vmem>> -> memref<128xi32, #tpu.memory_space<vmem>>
    %dma_start3A_27 = arith.constant 0 : i32
    %dma_start3A_28 = arith.constant 0 : i32
    %dma_start3A_29 = tpu.memref_slice %arg2[%dma_start3A_27, %dma_start3A_28] : memref<100000x128xf32, #tpu.memory_space<hbm>> -> memref<100000x128xf32, #tpu.memory_space<hbm>>
    tpu.enqueue_indirect_dma source(%dma_start3A_29 : memref<100000x128xf32, #tpu.memory_space<hbm>>) target(%dma_start3A_23 : memref<128x128xf32, #tpu.memory_space<vmem>>) offsets(%dma_start3A_26 : memref<128xi32, #tpu.memory_space<vmem>>) semaphore(%arg7 : memref<!tpu.dma_semaphore, #tpu.memory_space<semaphore_mem>>)
    %dma_start3A_30 = arith.constant 3 : i32
    %dma_start3A_31 = arith.constant 384 : i32
    %dma_start3A_32 = arith.constant 0 : i32
    %dma_start3A_33 = tpu.memref_slice %arg6[%dma_start3A_31, %dma_start3A_32] : memref<512x128xf32, #tpu.memory_space<vmem>> -> memref<128x128xf32, #tpu.memory_space<vmem>>
    %dma_start3A_34 = arith.constant 0 : i32
    %dma_start3A_35 = tpu.memref_slice %arg5[%dma_start3A_30, %dma_start3A_34] : memref<4x128xi32, #tpu.memory_space<vmem>> -> memref<1x128xi32, #tpu.memory_space<vmem>>
    %dma_start3A_36 = tpu.memref_squeeze %dma_start3A_35 : memref<1x128xi32, #tpu.memory_space<vmem>> -> memref<128xi32, #tpu.memory_space<vmem>>
    %dma_start3A_37 = arith.constant 0 : i32
    %dma_start3A_38 = arith.constant 0 : i32
    %dma_start3A_39 = tpu.memref_slice %arg2[%dma_start3A_37, %dma_start3A_38] : memref<100000x128xf32, #tpu.memory_space<hbm>> -> memref<100000x128xf32, #tpu.memory_space<hbm>>
    tpu.enqueue_indirect_dma source(%dma_start3A_39 : memref<100000x128xf32, #tpu.memory_space<hbm>>) target(%dma_start3A_33 : memref<128x128xf32, #tpu.memory_space<vmem>>) offsets(%dma_start3A_36 : memref<128xi32, #tpu.memory_space<vmem>>) semaphore(%arg7 : memref<!tpu.dma_semaphore, #tpu.memory_space<semaphore_mem>>)
    %dma_wait3A = arith.constant 0 : i32
    %dma_wait3A_40 = arith.constant 0 : i32
    %dma_wait3A_41 = arith.constant 0 : i32
    %dma_wait3A_42 = tpu.memref_slice %arg6[%dma_wait3A_40, %dma_wait3A_41] : memref<512x128xf32, #tpu.memory_space<vmem>> -> memref<128x128xf32, #tpu.memory_space<vmem>>
    %dma_wait3A_43 = arith.constant 0 : i32
    %dma_wait3A_44 = tpu.memref_slice %arg5[%dma_wait3A, %dma_wait3A_43] : memref<4x128xi32, #tpu.memory_space<vmem>> -> memref<1x128xi32, #tpu.memory_space<vmem>>
    %dma_wait3A_45 = tpu.memref_squeeze %dma_wait3A_44 : memref<1x128xi32, #tpu.memory_space<vmem>> -> memref<128xi32, #tpu.memory_space<vmem>>
    %dma_wait3A_46 = arith.constant 0 : i32
    %dma_wait3A_47 = arith.constant 0 : i32
    %dma_wait3A_48 = tpu.memref_slice %arg2[%dma_wait3A_46, %dma_wait3A_47] : memref<100000x128xf32, #tpu.memory_space<hbm>> -> memref<100000x128xf32, #tpu.memory_space<hbm>>
    tpu.wait_indirect_dma semaphore(%arg7 : memref<!tpu.dma_semaphore, #tpu.memory_space<semaphore_mem>>) src(%dma_wait3A_48 : memref<100000x128xf32, #tpu.memory_space<hbm>>) dst(%dma_wait3A_42 : memref<128x128xf32, #tpu.memory_space<vmem>>)
    %dma_wait3A_49 = arith.constant 1 : i32
    %dma_wait3A_50 = arith.constant 128 : i32
    %dma_wait3A_51 = arith.constant 0 : i32
    %dma_wait3A_52 = tpu.memref_slice %arg6[%dma_wait3A_50, %dma_wait3A_51] : memref<512x128xf32, #tpu.memory_space<vmem>> -> memref<128x128xf32, #tpu.memory_space<vmem>>
    %dma_wait3A_53 = arith.constant 0 : i32
    %dma_wait3A_54 = tpu.memref_slice %arg5[%dma_wait3A_49, %dma_wait3A_53] : memref<4x128xi32, #tpu.memory_space<vmem>> -> memref<1x128xi32, #tpu.memory_space<vmem>>
    %dma_wait3A_55 = tpu.memref_squeeze %dma_wait3A_54 : memref<1x128xi32, #tpu.memory_space<vmem>> -> memref<128xi32, #tpu.memory_space<vmem>>
    %dma_wait3A_56 = arith.constant 0 : i32
    %dma_wait3A_57 = arith.constant 0 : i32
    %dma_wait3A_58 = tpu.memref_slice %arg2[%dma_wait3A_56, %dma_wait3A_57] : memref<100000x128xf32, #tpu.memory_space<hbm>> -> memref<100000x128xf32, #tpu.memory_space<hbm>>
    tpu.wait_indirect_dma semaphore(%arg7 : memref<!tpu.dma_semaphore, #tpu.memory_space<semaphore_mem>>) src(%dma_wait3A_58 : memref<100000x128xf32, #tpu.memory_space<hbm>>) dst(%dma_wait3A_52 : memref<128x128xf32, #tpu.memory_space<vmem>>)
    %dma_wait3A_59 = arith.constant 2 : i32
    %dma_wait3A_60 = arith.constant 256 : i32
    %dma_wait3A_61 = arith.constant 0 : i32
    %dma_wait3A_62 = tpu.memref_slice %arg6[%dma_wait3A_60, %dma_wait3A_61] : memref<512x128xf32, #tpu.memory_space<vmem>> -> memref<128x128xf32, #tpu.memory_space<vmem>>
    %dma_wait3A_63 = arith.constant 0 : i32
    %dma_wait3A_64 = tpu.memref_slice %arg5[%dma_wait3A_59, %dma_wait3A_63] : memref<4x128xi32, #tpu.memory_space<vmem>> -> memref<1x128xi32, #tpu.memory_space<vmem>>
    %dma_wait3A_65 = tpu.memref_squeeze %dma_wait3A_64 : memref<1x128xi32, #tpu.memory_space<vmem>> -> memref<128xi32, #tpu.memory_space<vmem>>
    %dma_wait3A_66 = arith.constant 0 : i32
    %dma_wait3A_67 = arith.constant 0 : i32
    %dma_wait3A_68 = tpu.memref_slice %arg2[%dma_wait3A_66, %dma_wait3A_67] : memref<100000x128xf32, #tpu.memory_space<hbm>> -> memref<100000x128xf32, #tpu.memory_space<hbm>>
    tpu.wait_indirect_dma semaphore(%arg7 : memref<!tpu.dma_semaphore, #tpu.memory_space<semaphore_mem>>) src(%dma_wait3A_68 : memref<100000x128xf32, #tpu.memory_space<hbm>>) dst(%dma_wait3A_62 : memref<128x128xf32, #tpu.memory_space<vmem>>)
    %dma_wait3A_69 = arith.constant 3 : i32
    %dma_wait3A_70 = arith.constant 384 : i32
    %dma_wait3A_71 = arith.constant 0 : i32
    %dma_wait3A_72 = tpu.memref_slice %arg6[%dma_wait3A_70, %dma_wait3A_71] : memref<512x128xf32, #tpu.memory_space<vmem>> -> memref<128x128xf32, #tpu.memory_space<vmem>>
    %dma_wait3A_73 = arith.constant 0 : i32
    %dma_wait3A_74 = tpu.memref_slice %arg5[%dma_wait3A_69, %dma_wait3A_73] : memref<4x128xi32, #tpu.memory_space<vmem>> -> memref<1x128xi32, #tpu.memory_space<vmem>>
    %dma_wait3A_75 = tpu.memref_squeeze %dma_wait3A_74 : memref<1x128xi32, #tpu.memory_space<vmem>> -> memref<128xi32, #tpu.memory_space<vmem>>
    %dma_wait3A_76 = arith.constant 0 : i32
    %dma_wait3A_77 = arith.constant 0 : i32
    %dma_wait3A_78 = tpu.memref_slice %arg2[%dma_wait3A_76, %dma_wait3A_77] : memref<100000x128xf32, #tpu.memory_space<hbm>> -> memref<100000x128xf32, #tpu.memory_space<hbm>>
    tpu.wait_indirect_dma semaphore(%arg7 : memref<!tpu.dma_semaphore, #tpu.memory_space<semaphore_mem>>) src(%dma_wait3A_78 : memref<100000x128xf32, #tpu.memory_space<hbm>>) dst(%dma_wait3A_72 : memref<128x128xf32, #tpu.memory_space<vmem>>)
    %mul3A_79 = arith.constant 512 : i32
    %mul3A_80 = arith.muli %mul3A_79, %add3A : i32
    "tpu.region"() ({
      %run_scoped3A = tpu.sem_alloc : memref<!tpu.dma_semaphore, #tpu.memory_space<semaphore_mem>>
      %dma_start3A_81 = arith.constant 0 : i32
      %dma_start3A_82 = tpu.memref_slice %arg4[%mul3A_80, %dma_start3A_81] : memref<16384x128xf32, #tpu.memory_space<hbm>> -> memref<512x128xf32, #tpu.memory_space<hbm>>
      %dma_start3A_83 = arith.constant 0 : i32
      %dma_start3A_84 = tpu.memref_slice %arg4[%mul3A_80, %dma_start3A_83] : memref<16384x128xf32, #tpu.memory_space<hbm>> -> memref<512x128xf32, #tpu.memory_space<hbm>>
      tpu.enqueue_dma source(%arg6 : memref<512x128xf32, #tpu.memory_space<vmem>>) target(%dma_start3A_84 : memref<512x128xf32, #tpu.memory_space<hbm>>) target_semaphore(%run_scoped3A : memref<!tpu.dma_semaphore, #tpu.memory_space<semaphore_mem>>)
      %dma_wait3A_85 = arith.constant 0 : i32
      %dma_wait3A_86 = tpu.memref_slice %arg4[%mul3A_80, %dma_wait3A_85] : memref<16384x128xf32, #tpu.memory_space<hbm>> -> memref<512x128xf32, #tpu.memory_space<hbm>>
      %dma_wait3A_87 = arith.constant 0 : i32
      %dma_wait3A_88 = tpu.memref_slice %arg4[%mul3A_80, %dma_wait3A_87] : memref<16384x128xf32, #tpu.memory_space<hbm>> -> memref<512x128xf32, #tpu.memory_space<hbm>>
      tpu.wait_dma2 semaphore(%run_scoped3A : memref<!tpu.dma_semaphore, #tpu.memory_space<semaphore_mem>>) src(%arg6 : memref<512x128xf32, #tpu.memory_space<vmem>>) dst(%dma_wait3A_88 : memref<512x128xf32, #tpu.memory_space<hbm>>)
      tpu.yield
    }) : () -> ()
    return
  }
}

#map = affine_map<(d0, d1) -> (0, 0)>
#map1 = affine_map<(d0, d1) -> (0, 0, 0)>
module attributes {stable_mosaic.version = 14 : i64} {
  func.func @_sc_body(%arg0: i32, %arg1: i32, %arg2: memref<100000x128xf32, #tpu.memory_space<hbm>>, %arg3: memref<32x3x128xi32, #tpu.memory_space<hbm>>, %arg4: memref<12288x128xf32, #tpu.memory_space<hbm>>, %arg5: memref<12288x128xf32, #tpu.memory_space<hbm>>, %arg6: memref<4096x128xf32, #tpu.memory_space<hbm>>, %arg7: memref<3x128xi32, #tpu.memory_space<vmem>>, %arg8: memref<384x128xf32, #tpu.memory_space<vmem>>, %arg9: memref<128x128xf32, #tpu.memory_space<vmem>>, %arg10: memref<384x128xf32, #tpu.memory_space<vmem>>, %arg11: memref<!tpu.dma_semaphore, #tpu.memory_space<semaphore_mem>>) attributes {dimension_semantics = [#tpu.dimension_semantics<core_parallel>, #tpu.dimension_semantics<subcore_parallel>], iteration_bounds = array<i64: 2, 16>, scalar_prefetch = 0 : i64, scratch_operands = 5 : i64, tpu.core_type = #tpu.core_type<sc_vector_subcore>, window_params = [{transform_indices = #map}, {transform_indices = #map1}, {transform_indices = #map}, {transform_indices = #map}, {transform_indices = #map}]} {
    %mul3A = arith.constant 2 : i32
    %mul3A_0 = arith.muli %arg1, %mul3A : i32
    %add3A = arith.addi %mul3A_0, %arg0 : i32
    "tpu.region"() ({
      %run_scoped3A = tpu.sem_alloc : memref<!tpu.dma_semaphore, #tpu.memory_space<semaphore_mem>>
      %dma_start3A_70 = arith.constant 0 : i32
      %dma_start3A_71 = arith.constant 0 : i32
      %dma_start3A_72 = tpu.memref_slice %arg3[%add3A, %dma_start3A_70, %dma_start3A_71] : memref<32x3x128xi32, #tpu.memory_space<hbm>> -> memref<1x3x128xi32, #tpu.memory_space<hbm>>
      %dma_start3A_73 = tpu.memref_squeeze %dma_start3A_72 : memref<1x3x128xi32, #tpu.memory_space<hbm>> -> memref<3x128xi32, #tpu.memory_space<hbm>>
      %dma_start3A_74 = arith.constant 0 : i32
      %dma_start3A_75 = arith.constant 0 : i32
      %dma_start3A_76 = tpu.memref_slice %arg3[%add3A, %dma_start3A_74, %dma_start3A_75] : memref<32x3x128xi32, #tpu.memory_space<hbm>> -> memref<1x3x128xi32, #tpu.memory_space<hbm>>
      %dma_start3A_77 = tpu.memref_squeeze %dma_start3A_76 : memref<1x3x128xi32, #tpu.memory_space<hbm>> -> memref<3x128xi32, #tpu.memory_space<hbm>>
      tpu.enqueue_dma source(%dma_start3A_77 : memref<3x128xi32, #tpu.memory_space<hbm>>) target(%arg7 : memref<3x128xi32, #tpu.memory_space<vmem>>) target_semaphore(%run_scoped3A : memref<!tpu.dma_semaphore, #tpu.memory_space<semaphore_mem>>)
      %dma_wait3A_78 = arith.constant 0 : i32
      %dma_wait3A_79 = arith.constant 0 : i32
      %dma_wait3A_80 = tpu.memref_slice %arg3[%add3A, %dma_wait3A_78, %dma_wait3A_79] : memref<32x3x128xi32, #tpu.memory_space<hbm>> -> memref<1x3x128xi32, #tpu.memory_space<hbm>>
      %dma_wait3A_81 = tpu.memref_squeeze %dma_wait3A_80 : memref<1x3x128xi32, #tpu.memory_space<hbm>> -> memref<3x128xi32, #tpu.memory_space<hbm>>
      %dma_wait3A_82 = arith.constant 0 : i32
      %dma_wait3A_83 = arith.constant 0 : i32
      %dma_wait3A_84 = tpu.memref_slice %arg3[%add3A, %dma_wait3A_82, %dma_wait3A_83] : memref<32x3x128xi32, #tpu.memory_space<hbm>> -> memref<1x3x128xi32, #tpu.memory_space<hbm>>
      %dma_wait3A_85 = tpu.memref_squeeze %dma_wait3A_84 : memref<1x3x128xi32, #tpu.memory_space<hbm>> -> memref<3x128xi32, #tpu.memory_space<hbm>>
      tpu.wait_dma2 semaphore(%run_scoped3A : memref<!tpu.dma_semaphore, #tpu.memory_space<semaphore_mem>>) src(%dma_wait3A_85 : memref<3x128xi32, #tpu.memory_space<hbm>>) dst(%arg7 : memref<3x128xi32, #tpu.memory_space<vmem>>)
      tpu.yield
    }) : () -> ()
    %mul3A_1 = arith.constant 384 : i32
    %mul3A_2 = arith.muli %mul3A_1, %add3A : i32
    "tpu.region"() ({
      %run_scoped3A = tpu.sem_alloc : memref<!tpu.dma_semaphore, #tpu.memory_space<semaphore_mem>>
      %dma_start3A_70 = arith.constant 0 : i32
      %dma_start3A_71 = tpu.memref_slice %arg4[%mul3A_2, %dma_start3A_70] : memref<12288x128xf32, #tpu.memory_space<hbm>> -> memref<384x128xf32, #tpu.memory_space<hbm>>
      %dma_start3A_72 = arith.constant 0 : i32
      %dma_start3A_73 = tpu.memref_slice %arg4[%mul3A_2, %dma_start3A_72] : memref<12288x128xf32, #tpu.memory_space<hbm>> -> memref<384x128xf32, #tpu.memory_space<hbm>>
      tpu.enqueue_dma source(%dma_start3A_73 : memref<384x128xf32, #tpu.memory_space<hbm>>) target(%arg10 : memref<384x128xf32, #tpu.memory_space<vmem>>) target_semaphore(%run_scoped3A : memref<!tpu.dma_semaphore, #tpu.memory_space<semaphore_mem>>)
      %dma_wait3A_74 = arith.constant 0 : i32
      %dma_wait3A_75 = tpu.memref_slice %arg4[%mul3A_2, %dma_wait3A_74] : memref<12288x128xf32, #tpu.memory_space<hbm>> -> memref<384x128xf32, #tpu.memory_space<hbm>>
      %dma_wait3A_76 = arith.constant 0 : i32
      %dma_wait3A_77 = tpu.memref_slice %arg4[%mul3A_2, %dma_wait3A_76] : memref<12288x128xf32, #tpu.memory_space<hbm>> -> memref<384x128xf32, #tpu.memory_space<hbm>>
      tpu.wait_dma2 semaphore(%run_scoped3A : memref<!tpu.dma_semaphore, #tpu.memory_space<semaphore_mem>>) src(%dma_wait3A_77 : memref<384x128xf32, #tpu.memory_space<hbm>>) dst(%arg10 : memref<384x128xf32, #tpu.memory_space<vmem>>)
      tpu.yield
    }) : () -> ()
    %dma_start3A = arith.constant 0 : i32
    %dma_start3A_3 = arith.constant 0 : i32
    %dma_start3A_4 = arith.constant 0 : i32
    %dma_start3A_5 = tpu.memref_slice %arg8[%dma_start3A_3, %dma_start3A_4] : memref<384x128xf32, #tpu.memory_space<vmem>> -> memref<128x128xf32, #tpu.memory_space<vmem>>
    %dma_start3A_6 = arith.constant 0 : i32
    %dma_start3A_7 = tpu.memref_slice %arg7[%dma_start3A, %dma_start3A_6] : memref<3x128xi32, #tpu.memory_space<vmem>> -> memref<1x128xi32, #tpu.memory_space<vmem>>
    %dma_start3A_8 = tpu.memref_squeeze %dma_start3A_7 : memref<1x128xi32, #tpu.memory_space<vmem>> -> memref<128xi32, #tpu.memory_space<vmem>>
    %dma_start3A_9 = arith.constant 0 : i32
    %dma_start3A_10 = arith.constant 0 : i32
    %dma_start3A_11 = tpu.memref_slice %arg2[%dma_start3A_9, %dma_start3A_10] : memref<100000x128xf32, #tpu.memory_space<hbm>> -> memref<100000x128xf32, #tpu.memory_space<hbm>>
    tpu.enqueue_indirect_dma source(%dma_start3A_11 : memref<100000x128xf32, #tpu.memory_space<hbm>>) target(%dma_start3A_5 : memref<128x128xf32, #tpu.memory_space<vmem>>) offsets(%dma_start3A_8 : memref<128xi32, #tpu.memory_space<vmem>>) semaphore(%arg11 : memref<!tpu.dma_semaphore, #tpu.memory_space<semaphore_mem>>)
    %dma_start3A_12 = arith.constant 1 : i32
    %dma_start3A_13 = arith.constant 128 : i32
    %dma_start3A_14 = arith.constant 0 : i32
    %dma_start3A_15 = tpu.memref_slice %arg8[%dma_start3A_13, %dma_start3A_14] : memref<384x128xf32, #tpu.memory_space<vmem>> -> memref<128x128xf32, #tpu.memory_space<vmem>>
    %dma_start3A_16 = arith.constant 0 : i32
    %dma_start3A_17 = tpu.memref_slice %arg7[%dma_start3A_12, %dma_start3A_16] : memref<3x128xi32, #tpu.memory_space<vmem>> -> memref<1x128xi32, #tpu.memory_space<vmem>>
    %dma_start3A_18 = tpu.memref_squeeze %dma_start3A_17 : memref<1x128xi32, #tpu.memory_space<vmem>> -> memref<128xi32, #tpu.memory_space<vmem>>
    %dma_start3A_19 = arith.constant 0 : i32
    %dma_start3A_20 = arith.constant 0 : i32
    %dma_start3A_21 = tpu.memref_slice %arg2[%dma_start3A_19, %dma_start3A_20] : memref<100000x128xf32, #tpu.memory_space<hbm>> -> memref<100000x128xf32, #tpu.memory_space<hbm>>
    tpu.enqueue_indirect_dma source(%dma_start3A_21 : memref<100000x128xf32, #tpu.memory_space<hbm>>) target(%dma_start3A_15 : memref<128x128xf32, #tpu.memory_space<vmem>>) offsets(%dma_start3A_18 : memref<128xi32, #tpu.memory_space<vmem>>) semaphore(%arg11 : memref<!tpu.dma_semaphore, #tpu.memory_space<semaphore_mem>>)
    %dma_start3A_22 = arith.constant 2 : i32
    %dma_start3A_23 = arith.constant 256 : i32
    %dma_start3A_24 = arith.constant 0 : i32
    %dma_start3A_25 = tpu.memref_slice %arg8[%dma_start3A_23, %dma_start3A_24] : memref<384x128xf32, #tpu.memory_space<vmem>> -> memref<128x128xf32, #tpu.memory_space<vmem>>
    %dma_start3A_26 = arith.constant 0 : i32
    %dma_start3A_27 = tpu.memref_slice %arg7[%dma_start3A_22, %dma_start3A_26] : memref<3x128xi32, #tpu.memory_space<vmem>> -> memref<1x128xi32, #tpu.memory_space<vmem>>
    %dma_start3A_28 = tpu.memref_squeeze %dma_start3A_27 : memref<1x128xi32, #tpu.memory_space<vmem>> -> memref<128xi32, #tpu.memory_space<vmem>>
    %dma_start3A_29 = arith.constant 0 : i32
    %dma_start3A_30 = arith.constant 0 : i32
    %dma_start3A_31 = tpu.memref_slice %arg2[%dma_start3A_29, %dma_start3A_30] : memref<100000x128xf32, #tpu.memory_space<hbm>> -> memref<100000x128xf32, #tpu.memory_space<hbm>>
    tpu.enqueue_indirect_dma source(%dma_start3A_31 : memref<100000x128xf32, #tpu.memory_space<hbm>>) target(%dma_start3A_25 : memref<128x128xf32, #tpu.memory_space<vmem>>) offsets(%dma_start3A_28 : memref<128xi32, #tpu.memory_space<vmem>>) semaphore(%arg11 : memref<!tpu.dma_semaphore, #tpu.memory_space<semaphore_mem>>)
    %dma_wait3A = arith.constant 0 : i32
    %dma_wait3A_32 = arith.constant 0 : i32
    %dma_wait3A_33 = arith.constant 0 : i32
    %dma_wait3A_34 = tpu.memref_slice %arg8[%dma_wait3A_32, %dma_wait3A_33] : memref<384x128xf32, #tpu.memory_space<vmem>> -> memref<128x128xf32, #tpu.memory_space<vmem>>
    %dma_wait3A_35 = arith.constant 0 : i32
    %dma_wait3A_36 = tpu.memref_slice %arg7[%dma_wait3A, %dma_wait3A_35] : memref<3x128xi32, #tpu.memory_space<vmem>> -> memref<1x128xi32, #tpu.memory_space<vmem>>
    %dma_wait3A_37 = tpu.memref_squeeze %dma_wait3A_36 : memref<1x128xi32, #tpu.memory_space<vmem>> -> memref<128xi32, #tpu.memory_space<vmem>>
    %dma_wait3A_38 = arith.constant 0 : i32
    %dma_wait3A_39 = arith.constant 0 : i32
    %dma_wait3A_40 = tpu.memref_slice %arg2[%dma_wait3A_38, %dma_wait3A_39] : memref<100000x128xf32, #tpu.memory_space<hbm>> -> memref<100000x128xf32, #tpu.memory_space<hbm>>
    tpu.wait_indirect_dma semaphore(%arg11 : memref<!tpu.dma_semaphore, #tpu.memory_space<semaphore_mem>>) src(%dma_wait3A_40 : memref<100000x128xf32, #tpu.memory_space<hbm>>) dst(%dma_wait3A_34 : memref<128x128xf32, #tpu.memory_space<vmem>>)
    %dma_wait3A_41 = arith.constant 1 : i32
    %dma_wait3A_42 = arith.constant 128 : i32
    %dma_wait3A_43 = arith.constant 0 : i32
    %dma_wait3A_44 = tpu.memref_slice %arg8[%dma_wait3A_42, %dma_wait3A_43] : memref<384x128xf32, #tpu.memory_space<vmem>> -> memref<128x128xf32, #tpu.memory_space<vmem>>
    %dma_wait3A_45 = arith.constant 0 : i32
    %dma_wait3A_46 = tpu.memref_slice %arg7[%dma_wait3A_41, %dma_wait3A_45] : memref<3x128xi32, #tpu.memory_space<vmem>> -> memref<1x128xi32, #tpu.memory_space<vmem>>
    %dma_wait3A_47 = tpu.memref_squeeze %dma_wait3A_46 : memref<1x128xi32, #tpu.memory_space<vmem>> -> memref<128xi32, #tpu.memory_space<vmem>>
    %dma_wait3A_48 = arith.constant 0 : i32
    %dma_wait3A_49 = arith.constant 0 : i32
    %dma_wait3A_50 = tpu.memref_slice %arg2[%dma_wait3A_48, %dma_wait3A_49] : memref<100000x128xf32, #tpu.memory_space<hbm>> -> memref<100000x128xf32, #tpu.memory_space<hbm>>
    tpu.wait_indirect_dma semaphore(%arg11 : memref<!tpu.dma_semaphore, #tpu.memory_space<semaphore_mem>>) src(%dma_wait3A_50 : memref<100000x128xf32, #tpu.memory_space<hbm>>) dst(%dma_wait3A_44 : memref<128x128xf32, #tpu.memory_space<vmem>>)
    %dma_wait3A_51 = arith.constant 2 : i32
    %dma_wait3A_52 = arith.constant 256 : i32
    %dma_wait3A_53 = arith.constant 0 : i32
    %dma_wait3A_54 = tpu.memref_slice %arg8[%dma_wait3A_52, %dma_wait3A_53] : memref<384x128xf32, #tpu.memory_space<vmem>> -> memref<128x128xf32, #tpu.memory_space<vmem>>
    %dma_wait3A_55 = arith.constant 0 : i32
    %dma_wait3A_56 = tpu.memref_slice %arg7[%dma_wait3A_51, %dma_wait3A_55] : memref<3x128xi32, #tpu.memory_space<vmem>> -> memref<1x128xi32, #tpu.memory_space<vmem>>
    %dma_wait3A_57 = tpu.memref_squeeze %dma_wait3A_56 : memref<1x128xi32, #tpu.memory_space<vmem>> -> memref<128xi32, #tpu.memory_space<vmem>>
    %dma_wait3A_58 = arith.constant 0 : i32
    %dma_wait3A_59 = arith.constant 0 : i32
    %dma_wait3A_60 = tpu.memref_slice %arg2[%dma_wait3A_58, %dma_wait3A_59] : memref<100000x128xf32, #tpu.memory_space<hbm>> -> memref<100000x128xf32, #tpu.memory_space<hbm>>
    tpu.wait_indirect_dma semaphore(%arg11 : memref<!tpu.dma_semaphore, #tpu.memory_space<semaphore_mem>>) src(%dma_wait3A_60 : memref<100000x128xf32, #tpu.memory_space<hbm>>) dst(%dma_wait3A_54 : memref<128x128xf32, #tpu.memory_space<vmem>>)
    %mul3A_61 = arith.constant 384 : i32
    %mul3A_62 = arith.muli %mul3A_61, %add3A : i32
    "tpu.region"() ({
      %run_scoped3A = tpu.sem_alloc : memref<!tpu.dma_semaphore, #tpu.memory_space<semaphore_mem>>
      %dma_start3A_70 = arith.constant 0 : i32
      %dma_start3A_71 = tpu.memref_slice %arg5[%mul3A_62, %dma_start3A_70] : memref<12288x128xf32, #tpu.memory_space<hbm>> -> memref<384x128xf32, #tpu.memory_space<hbm>>
      %dma_start3A_72 = arith.constant 0 : i32
      %dma_start3A_73 = tpu.memref_slice %arg5[%mul3A_62, %dma_start3A_72] : memref<12288x128xf32, #tpu.memory_space<hbm>> -> memref<384x128xf32, #tpu.memory_space<hbm>>
      tpu.enqueue_dma source(%arg8 : memref<384x128xf32, #tpu.memory_space<vmem>>) target(%dma_start3A_73 : memref<384x128xf32, #tpu.memory_space<hbm>>) target_semaphore(%run_scoped3A : memref<!tpu.dma_semaphore, #tpu.memory_space<semaphore_mem>>)
      %dma_wait3A_74 = arith.constant 0 : i32
      %dma_wait3A_75 = tpu.memref_slice %arg5[%mul3A_62, %dma_wait3A_74] : memref<12288x128xf32, #tpu.memory_space<hbm>> -> memref<384x128xf32, #tpu.memory_space<hbm>>
      %dma_wait3A_76 = arith.constant 0 : i32
      %dma_wait3A_77 = tpu.memref_slice %arg5[%mul3A_62, %dma_wait3A_76] : memref<12288x128xf32, #tpu.memory_space<hbm>> -> memref<384x128xf32, #tpu.memory_space<hbm>>
      tpu.wait_dma2 semaphore(%run_scoped3A : memref<!tpu.dma_semaphore, #tpu.memory_space<semaphore_mem>>) src(%arg8 : memref<384x128xf32, #tpu.memory_space<vmem>>) dst(%dma_wait3A_77 : memref<384x128xf32, #tpu.memory_space<hbm>>)
      tpu.yield
    }) : () -> ()
    %scan3A = arith.constant 0 : i32
    %scan3A_63 = arith.constant 0 : i32
    %scan3A_64 = arith.constant 128 : i32
    %scan3A_65 = arith.addi %scan3A_63, %scan3A_64 : i32
    %scan3A_66 = arith.constant 1 : i32
    scf.for %scan3A_70 = %scan3A_63 to %scan3A_65 step %scan3A_66  : i32 {
      %mul3A_71 = arith.constant 3 : i32
      %mul3A_72 = arith.muli %mul3A_71, %scan3A_70 : i32
      %get3A = arith.index_cast %mul3A_72 : i32 to index
      %get3A_73 = arith.constant 0 : index
      %get3A_74 = tpu.vector_load %arg10[%get3A, %get3A_73] {strides = array<i32>} : memref<384x128xf32, #tpu.memory_space<vmem>>, vector<1x16xf32>,
      %get3A_75 = vector.shape_cast %get3A_74 : vector<1x16xf32> to vector<16xf32>
      %mul3A_76 = arith.constant 3 : i32
      %mul3A_77 = arith.muli %mul3A_76, %scan3A_70 : i32
      %get3A_78 = arith.index_cast %mul3A_77 : i32 to index
      %get3A_79 = arith.constant 0 : index
      %get3A_80 = tpu.vector_load %arg8[%get3A_78, %get3A_79] {strides = array<i32>} : memref<384x128xf32, #tpu.memory_space<vmem>>, vector<1x16xf32>,
      %get3A_81 = vector.shape_cast %get3A_80 : vector<1x16xf32> to vector<16xf32>
      %mul3A_82 = arith.mulf %get3A_75, %get3A_81 : vector<16xf32>
      %mul3A_83 = arith.constant 3 : i32
      %mul3A_84 = arith.muli %mul3A_83, %scan3A_70 : i32
      %add3A_85 = arith.constant 1 : i32
      %add3A_86 = arith.addi %mul3A_84, %add3A_85 : i32
      %get3A_87 = arith.index_cast %add3A_86 : i32 to index
      %get3A_88 = arith.constant 0 : index
      %get3A_89 = tpu.vector_load %arg10[%get3A_87, %get3A_88] {strides = array<i32>} : memref<384x128xf32, #tpu.memory_space<vmem>>, vector<1x16xf32>,
      %get3A_90 = vector.shape_cast %get3A_89 : vector<1x16xf32> to vector<16xf32>
      %mul3A_91 = arith.constant 3 : i32
      %mul3A_92 = arith.muli %mul3A_91, %scan3A_70 : i32
      %add3A_93 = arith.constant 1 : i32
      %add3A_94 = arith.addi %mul3A_92, %add3A_93 : i32
      %get3A_95 = arith.index_cast %add3A_94 : i32 to index
      %get3A_96 = arith.constant 0 : index
      %get3A_97 = tpu.vector_load %arg8[%get3A_95, %get3A_96] {strides = array<i32>} : memref<384x128xf32, #tpu.memory_space<vmem>>, vector<1x16xf32>,
      %get3A_98 = vector.shape_cast %get3A_97 : vector<1x16xf32> to vector<16xf32>
      %mul3A_99 = arith.mulf %get3A_90, %get3A_98 : vector<16xf32>
      %add3A_100 = arith.addf %mul3A_82, %mul3A_99 : vector<16xf32>
      %mul3A_101 = arith.constant 3 : i32
      %mul3A_102 = arith.muli %mul3A_101, %scan3A_70 : i32
      %add3A_103 = arith.constant 2 : i32
      %add3A_104 = arith.addi %mul3A_102, %add3A_103 : i32
      %get3A_105 = arith.index_cast %add3A_104 : i32 to index
      %get3A_106 = arith.constant 0 : index
      %get3A_107 = tpu.vector_load %arg10[%get3A_105, %get3A_106] {strides = array<i32>} : memref<384x128xf32, #tpu.memory_space<vmem>>, vector<1x16xf32>,
      %get3A_108 = vector.shape_cast %get3A_107 : vector<1x16xf32> to vector<16xf32>
      %mul3A_109 = arith.constant 3 : i32
      %mul3A_110 = arith.muli %mul3A_109, %scan3A_70 : i32
      %add3A_111 = arith.constant 2 : i32
      %add3A_112 = arith.addi %mul3A_110, %add3A_111 : i32
      %get3A_113 = arith.index_cast %add3A_112 : i32 to index
      %get3A_114 = arith.constant 0 : index
      %get3A_115 = tpu.vector_load %arg8[%get3A_113, %get3A_114] {strides = array<i32>} : memref<384x128xf32, #tpu.memory_space<vmem>>, vector<1x16xf32>,
      %get3A_116 = vector.shape_cast %get3A_115 : vector<1x16xf32> to vector<16xf32>
      %mul3A_117 = arith.mulf %get3A_108, %get3A_116 : vector<16xf32>
      %add3A_118 = arith.addf %add3A_100, %mul3A_117 : vector<16xf32>
      %swap3A = arith.index_cast %scan3A_70 : i32 to index
      %swap3A_119 = arith.constant 0 : index
      %swap3A_120 = tpu.vector_load %arg9[%swap3A, %swap3A_119] {strides = array<i32>} : memref<128x128xf32, #tpu.memory_space<vmem>>, vector<1x16xf32>,
      %swap3A_121 = vector.shape_cast %swap3A_120 : vector<1x16xf32> to vector<16xf32>
      %swap3A_122 = vector.shape_cast %add3A_118 : vector<16xf32> to vector<1x16xf32>
      tpu.vector_store %arg9[%swap3A, %swap3A_119], %swap3A_122 {strides = array<i32>} : memref<128x128xf32, #tpu.memory_space<vmem>>, vector<1x16xf32>,
      %mul3A_123 = arith.constant 3 : i32
      %mul3A_124 = arith.muli %mul3A_123, %scan3A_70 : i32
      %get3A_125 = arith.index_cast %mul3A_124 : i32 to index
      %get3A_126 = arith.constant 16 : index
      %get3A_127 = tpu.vector_load %arg10[%get3A_125, %get3A_126] {strides = array<i32>} : memref<384x128xf32, #tpu.memory_space<vmem>>, vector<1x16xf32>,
      %get3A_128 = vector.shape_cast %get3A_127 : vector<1x16xf32> to vector<16xf32>
      %mul3A_129 = arith.constant 3 : i32
      %mul3A_130 = arith.muli %mul3A_129, %scan3A_70 : i32
      %get3A_131 = arith.index_cast %mul3A_130 : i32 to index
      %get3A_132 = arith.constant 16 : index
      %get3A_133 = tpu.vector_load %arg8[%get3A_131, %get3A_132] {strides = array<i32>} : memref<384x128xf32, #tpu.memory_space<vmem>>, vector<1x16xf32>,
      %get3A_134 = vector.shape_cast %get3A_133 : vector<1x16xf32> to vector<16xf32>
      %mul3A_135 = arith.mulf %get3A_128, %get3A_134 : vector<16xf32>
      %mul3A_136 = arith.constant 3 : i32
      %mul3A_137 = arith.muli %mul3A_136, %scan3A_70 : i32
      %add3A_138 = arith.constant 1 : i32
      %add3A_139 = arith.addi %mul3A_137, %add3A_138 : i32
      %get3A_140 = arith.index_cast %add3A_139 : i32 to index
      %get3A_141 = arith.constant 16 : index
      %get3A_142 = tpu.vector_load %arg10[%get3A_140, %get3A_141] {strides = array<i32>} : memref<384x128xf32, #tpu.memory_space<vmem>>, vector<1x16xf32>,
      %get3A_143 = vector.shape_cast %get3A_142 : vector<1x16xf32> to vector<16xf32>
      %mul3A_144 = arith.constant 3 : i32
      %mul3A_145 = arith.muli %mul3A_144, %scan3A_70 : i32
      %add3A_146 = arith.constant 1 : i32
      %add3A_147 = arith.addi %mul3A_145, %add3A_146 : i32
      %get3A_148 = arith.index_cast %add3A_147 : i32 to index
      %get3A_149 = arith.constant 16 : index
      %get3A_150 = tpu.vector_load %arg8[%get3A_148, %get3A_149] {strides = array<i32>} : memref<384x128xf32, #tpu.memory_space<vmem>>, vector<1x16xf32>,
      %get3A_151 = vector.shape_cast %get3A_150 : vector<1x16xf32> to vector<16xf32>
      %mul3A_152 = arith.mulf %get3A_143, %get3A_151 : vector<16xf32>
      %add3A_153 = arith.addf %mul3A_135, %mul3A_152 : vector<16xf32>
      %mul3A_154 = arith.constant 3 : i32
      %mul3A_155 = arith.muli %mul3A_154, %scan3A_70 : i32
      %add3A_156 = arith.constant 2 : i32
      %add3A_157 = arith.addi %mul3A_155, %add3A_156 : i32
      %get3A_158 = arith.index_cast %add3A_157 : i32 to index
      %get3A_159 = arith.constant 16 : index
      %get3A_160 = tpu.vector_load %arg10[%get3A_158, %get3A_159] {strides = array<i32>} : memref<384x128xf32, #tpu.memory_space<vmem>>, vector<1x16xf32>,
      %get3A_161 = vector.shape_cast %get3A_160 : vector<1x16xf32> to vector<16xf32>
      %mul3A_162 = arith.constant 3 : i32
      %mul3A_163 = arith.muli %mul3A_162, %scan3A_70 : i32
      %add3A_164 = arith.constant 2 : i32
      %add3A_165 = arith.addi %mul3A_163, %add3A_164 : i32
      %get3A_166 = arith.index_cast %add3A_165 : i32 to index
      %get3A_167 = arith.constant 16 : index
      %get3A_168 = tpu.vector_load %arg8[%get3A_166, %get3A_167] {strides = array<i32>} : memref<384x128xf32, #tpu.memory_space<vmem>>, vector<1x16xf32>,
      %get3A_169 = vector.shape_cast %get3A_168 : vector<1x16xf32> to vector<16xf32>
      %mul3A_170 = arith.mulf %get3A_161, %get3A_169 : vector<16xf32>
      %add3A_171 = arith.addf %add3A_153, %mul3A_170 : vector<16xf32>
      %swap3A_172 = arith.index_cast %scan3A_70 : i32 to index
      %swap3A_173 = arith.constant 16 : index
      %swap3A_174 = tpu.vector_load %arg9[%swap3A_172, %swap3A_173] {strides = array<i32>} : memref<128x128xf32, #tpu.memory_space<vmem>>, vector<1x16xf32>,
      %swap3A_175 = vector.shape_cast %swap3A_174 : vector<1x16xf32> to vector<16xf32>
      %swap3A_176 = vector.shape_cast %add3A_171 : vector<16xf32> to vector<1x16xf32>
      tpu.vector_store %arg9[%swap3A_172, %swap3A_173], %swap3A_176 {strides = array<i32>} : memref<128x128xf32, #tpu.memory_space<vmem>>, vector<1x16xf32>,
      %mul3A_177 = arith.constant 3 : i32
      %mul3A_178 = arith.muli %mul3A_177, %scan3A_70 : i32
      %get3A_179 = arith.index_cast %mul3A_178 : i32 to index
      %get3A_180 = arith.constant 32 : index
      %get3A_181 = tpu.vector_load %arg10[%get3A_179, %get3A_180] {strides = array<i32>} : memref<384x128xf32, #tpu.memory_space<vmem>>, vector<1x16xf32>,
      %get3A_182 = vector.shape_cast %get3A_181 : vector<1x16xf32> to vector<16xf32>
      %mul3A_183 = arith.constant 3 : i32
      %mul3A_184 = arith.muli %mul3A_183, %scan3A_70 : i32
      %get3A_185 = arith.index_cast %mul3A_184 : i32 to index
      %get3A_186 = arith.constant 32 : index
      %get3A_187 = tpu.vector_load %arg8[%get3A_185, %get3A_186] {strides = array<i32>} : memref<384x128xf32, #tpu.memory_space<vmem>>, vector<1x16xf32>,
      %get3A_188 = vector.shape_cast %get3A_187 : vector<1x16xf32> to vector<16xf32>
      %mul3A_189 = arith.mulf %get3A_182, %get3A_188 : vector<16xf32>
      %mul3A_190 = arith.constant 3 : i32
      %mul3A_191 = arith.muli %mul3A_190, %scan3A_70 : i32
      %add3A_192 = arith.constant 1 : i32
      %add3A_193 = arith.addi %mul3A_191, %add3A_192 : i32
      %get3A_194 = arith.index_cast %add3A_193 : i32 to index
      %get3A_195 = arith.constant 32 : index
      %get3A_196 = tpu.vector_load %arg10[%get3A_194, %get3A_195] {strides = array<i32>} : memref<384x128xf32, #tpu.memory_space<vmem>>, vector<1x16xf32>,
      %get3A_197 = vector.shape_cast %get3A_196 : vector<1x16xf32> to vector<16xf32>
      %mul3A_198 = arith.constant 3 : i32
      %mul3A_199 = arith.muli %mul3A_198, %scan3A_70 : i32
      %add3A_200 = arith.constant 1 : i32
      %add3A_201 = arith.addi %mul3A_199, %add3A_200 : i32
      %get3A_202 = arith.index_cast %add3A_201 : i32 to index
      %get3A_203 = arith.constant 32 : index
      %get3A_204 = tpu.vector_load %arg8[%get3A_202, %get3A_203] {strides = array<i32>} : memref<384x128xf32, #tpu.memory_space<vmem>>, vector<1x16xf32>,
      %get3A_205 = vector.shape_cast %get3A_204 : vector<1x16xf32> to vector<16xf32>
      %mul3A_206 = arith.mulf %get3A_197, %get3A_205 : vector<16xf32>
      %add3A_207 = arith.addf %mul3A_189, %mul3A_206 : vector<16xf32>
      %mul3A_208 = arith.constant 3 : i32
      %mul3A_209 = arith.muli %mul3A_208, %scan3A_70 : i32
      %add3A_210 = arith.constant 2 : i32
      %add3A_211 = arith.addi %mul3A_209, %add3A_210 : i32
      %get3A_212 = arith.index_cast %add3A_211 : i32 to index
      %get3A_213 = arith.constant 32 : index
      %get3A_214 = tpu.vector_load %arg10[%get3A_212, %get3A_213] {strides = array<i32>} : memref<384x128xf32, #tpu.memory_space<vmem>>, vector<1x16xf32>,
      %get3A_215 = vector.shape_cast %get3A_214 : vector<1x16xf32> to vector<16xf32>
      %mul3A_216 = arith.constant 3 : i32
      %mul3A_217 = arith.muli %mul3A_216, %scan3A_70 : i32
      %add3A_218 = arith.constant 2 : i32
      %add3A_219 = arith.addi %mul3A_217, %add3A_218 : i32
      %get3A_220 = arith.index_cast %add3A_219 : i32 to index
      %get3A_221 = arith.constant 32 : index
      %get3A_222 = tpu.vector_load %arg8[%get3A_220, %get3A_221] {strides = array<i32>} : memref<384x128xf32, #tpu.memory_space<vmem>>, vector<1x16xf32>,
      %get3A_223 = vector.shape_cast %get3A_222 : vector<1x16xf32> to vector<16xf32>
      %mul3A_224 = arith.mulf %get3A_215, %get3A_223 : vector<16xf32>
      %add3A_225 = arith.addf %add3A_207, %mul3A_224 : vector<16xf32>
      %swap3A_226 = arith.index_cast %scan3A_70 : i32 to index
      %swap3A_227 = arith.constant 32 : index
      %swap3A_228 = tpu.vector_load %arg9[%swap3A_226, %swap3A_227] {strides = array<i32>} : memref<128x128xf32, #tpu.memory_space<vmem>>, vector<1x16xf32>,
      %swap3A_229 = vector.shape_cast %swap3A_228 : vector<1x16xf32> to vector<16xf32>
      %swap3A_230 = vector.shape_cast %add3A_225 : vector<16xf32> to vector<1x16xf32>
      tpu.vector_store %arg9[%swap3A_226, %swap3A_227], %swap3A_230 {strides = array<i32>} : memref<128x128xf32, #tpu.memory_space<vmem>>, vector<1x16xf32>,
      %mul3A_231 = arith.constant 3 : i32
      %mul3A_232 = arith.muli %mul3A_231, %scan3A_70 : i32
      %get3A_233 = arith.index_cast %mul3A_232 : i32 to index
      %get3A_234 = arith.constant 48 : index
      %get3A_235 = tpu.vector_load %arg10[%get3A_233, %get3A_234] {strides = array<i32>} : memref<384x128xf32, #tpu.memory_space<vmem>>, vector<1x16xf32>,
      %get3A_236 = vector.shape_cast %get3A_235 : vector<1x16xf32> to vector<16xf32>
      %mul3A_237 = arith.constant 3 : i32
      %mul3A_238 = arith.muli %mul3A_237, %scan3A_70 : i32
      %get3A_239 = arith.index_cast %mul3A_238 : i32 to index
      %get3A_240 = arith.constant 48 : index
      %get3A_241 = tpu.vector_load %arg8[%get3A_239, %get3A_240] {strides = array<i32>} : memref<384x128xf32, #tpu.memory_space<vmem>>, vector<1x16xf32>,
      %get3A_242 = vector.shape_cast %get3A_241 : vector<1x16xf32> to vector<16xf32>
      %mul3A_243 = arith.mulf %get3A_236, %get3A_242 : vector<16xf32>
      %mul3A_244 = arith.constant 3 : i32
      %mul3A_245 = arith.muli %mul3A_244, %scan3A_70 : i32
      %add3A_246 = arith.constant 1 : i32
      %add3A_247 = arith.addi %mul3A_245, %add3A_246 : i32
      %get3A_248 = arith.index_cast %add3A_247 : i32 to index
      %get3A_249 = arith.constant 48 : index
      %get3A_250 = tpu.vector_load %arg10[%get3A_248, %get3A_249] {strides = array<i32>} : memref<384x128xf32, #tpu.memory_space<vmem>>, vector<1x16xf32>,
      %get3A_251 = vector.shape_cast %get3A_250 : vector<1x16xf32> to vector<16xf32>
      %mul3A_252 = arith.constant 3 : i32
      %mul3A_253 = arith.muli %mul3A_252, %scan3A_70 : i32
      %add3A_254 = arith.constant 1 : i32
      %add3A_255 = arith.addi %mul3A_253, %add3A_254 : i32
      %get3A_256 = arith.index_cast %add3A_255 : i32 to index
      %get3A_257 = arith.constant 48 : index
      %get3A_258 = tpu.vector_load %arg8[%get3A_256, %get3A_257] {strides = array<i32>} : memref<384x128xf32, #tpu.memory_space<vmem>>, vector<1x16xf32>,
      %get3A_259 = vector.shape_cast %get3A_258 : vector<1x16xf32> to vector<16xf32>
      %mul3A_260 = arith.mulf %get3A_251, %get3A_259 : vector<16xf32>
      %add3A_261 = arith.addf %mul3A_243, %mul3A_260 : vector<16xf32>
      %mul3A_262 = arith.constant 3 : i32
      %mul3A_263 = arith.muli %mul3A_262, %scan3A_70 : i32
      %add3A_264 = arith.constant 2 : i32
      %add3A_265 = arith.addi %mul3A_263, %add3A_264 : i32
      %get3A_266 = arith.index_cast %add3A_265 : i32 to index
      %get3A_267 = arith.constant 48 : index
      %get3A_268 = tpu.vector_load %arg10[%get3A_266, %get3A_267] {strides = array<i32>} : memref<384x128xf32, #tpu.memory_space<vmem>>, vector<1x16xf32>,
      %get3A_269 = vector.shape_cast %get3A_268 : vector<1x16xf32> to vector<16xf32>
      %mul3A_270 = arith.constant 3 : i32
      %mul3A_271 = arith.muli %mul3A_270, %scan3A_70 : i32
      %add3A_272 = arith.constant 2 : i32
      %add3A_273 = arith.addi %mul3A_271, %add3A_272 : i32
      %get3A_274 = arith.index_cast %add3A_273 : i32 to index
      %get3A_275 = arith.constant 48 : index
      %get3A_276 = tpu.vector_load %arg8[%get3A_274, %get3A_275] {strides = array<i32>} : memref<384x128xf32, #tpu.memory_space<vmem>>, vector<1x16xf32>,
      %get3A_277 = vector.shape_cast %get3A_276 : vector<1x16xf32> to vector<16xf32>
      %mul3A_278 = arith.mulf %get3A_269, %get3A_277 : vector<16xf32>
      %add3A_279 = arith.addf %add3A_261, %mul3A_278 : vector<16xf32>
      %swap3A_280 = arith.index_cast %scan3A_70 : i32 to index
      %swap3A_281 = arith.constant 48 : index
      %swap3A_282 = tpu.vector_load %arg9[%swap3A_280, %swap3A_281] {strides = array<i32>} : memref<128x128xf32, #tpu.memory_space<vmem>>, vector<1x16xf32>,
      %swap3A_283 = vector.shape_cast %swap3A_282 : vector<1x16xf32> to vector<16xf32>
      %swap3A_284 = vector.shape_cast %add3A_279 : vector<16xf32> to vector<1x16xf32>
      tpu.vector_store %arg9[%swap3A_280, %swap3A_281], %swap3A_284 {strides = array<i32>} : memref<128x128xf32, #tpu.memory_space<vmem>>, vector<1x16xf32>,
      %mul3A_285 = arith.constant 3 : i32
      %mul3A_286 = arith.muli %mul3A_285, %scan3A_70 : i32
      %get3A_287 = arith.index_cast %mul3A_286 : i32 to index
      %get3A_288 = arith.constant 64 : index
      %get3A_289 = tpu.vector_load %arg10[%get3A_287, %get3A_288] {strides = array<i32>} : memref<384x128xf32, #tpu.memory_space<vmem>>, vector<1x16xf32>,
      %get3A_290 = vector.shape_cast %get3A_289 : vector<1x16xf32> to vector<16xf32>
      %mul3A_291 = arith.constant 3 : i32
      %mul3A_292 = arith.muli %mul3A_291, %scan3A_70 : i32
      %get3A_293 = arith.index_cast %mul3A_292 : i32 to index
      %get3A_294 = arith.constant 64 : index
      %get3A_295 = tpu.vector_load %arg8[%get3A_293, %get3A_294] {strides = array<i32>} : memref<384x128xf32, #tpu.memory_space<vmem>>, vector<1x16xf32>,
      %get3A_296 = vector.shape_cast %get3A_295 : vector<1x16xf32> to vector<16xf32>
      %mul3A_297 = arith.mulf %get3A_290, %get3A_296 : vector<16xf32>
      %mul3A_298 = arith.constant 3 : i32
      %mul3A_299 = arith.muli %mul3A_298, %scan3A_70 : i32
      %add3A_300 = arith.constant 1 : i32
      %add3A_301 = arith.addi %mul3A_299, %add3A_300 : i32
      %get3A_302 = arith.index_cast %add3A_301 : i32 to index
      %get3A_303 = arith.constant 64 : index
      %get3A_304 = tpu.vector_load %arg10[%get3A_302, %get3A_303] {strides = array<i32>} : memref<384x128xf32, #tpu.memory_space<vmem>>, vector<1x16xf32>,
      %get3A_305 = vector.shape_cast %get3A_304 : vector<1x16xf32> to vector<16xf32>
      %mul3A_306 = arith.constant 3 : i32
      %mul3A_307 = arith.muli %mul3A_306, %scan3A_70 : i32
      %add3A_308 = arith.constant 1 : i32
      %add3A_309 = arith.addi %mul3A_307, %add3A_308 : i32
      %get3A_310 = arith.index_cast %add3A_309 : i32 to index
      %get3A_311 = arith.constant 64 : index
      %get3A_312 = tpu.vector_load %arg8[%get3A_310, %get3A_311] {strides = array<i32>} : memref<384x128xf32, #tpu.memory_space<vmem>>, vector<1x16xf32>,
      %get3A_313 = vector.shape_cast %get3A_312 : vector<1x16xf32> to vector<16xf32>
      %mul3A_314 = arith.mulf %get3A_305, %get3A_313 : vector<16xf32>
      %add3A_315 = arith.addf %mul3A_297, %mul3A_314 : vector<16xf32>
      %mul3A_316 = arith.constant 3 : i32
      %mul3A_317 = arith.muli %mul3A_316, %scan3A_70 : i32
      %add3A_318 = arith.constant 2 : i32
      %add3A_319 = arith.addi %mul3A_317, %add3A_318 : i32
      %get3A_320 = arith.index_cast %add3A_319 : i32 to index
      %get3A_321 = arith.constant 64 : index
      %get3A_322 = tpu.vector_load %arg10[%get3A_320, %get3A_321] {strides = array<i32>} : memref<384x128xf32, #tpu.memory_space<vmem>>, vector<1x16xf32>,
      %get3A_323 = vector.shape_cast %get3A_322 : vector<1x16xf32> to vector<16xf32>
      %mul3A_324 = arith.constant 3 : i32
      %mul3A_325 = arith.muli %mul3A_324, %scan3A_70 : i32
      %add3A_326 = arith.constant 2 : i32
      %add3A_327 = arith.addi %mul3A_325, %add3A_326 : i32
      %get3A_328 = arith.index_cast %add3A_327 : i32 to index
      %get3A_329 = arith.constant 64 : index
      %get3A_330 = tpu.vector_load %arg8[%get3A_328, %get3A_329] {strides = array<i32>} : memref<384x128xf32, #tpu.memory_space<vmem>>, vector<1x16xf32>,
      %get3A_331 = vector.shape_cast %get3A_330 : vector<1x16xf32> to vector<16xf32>
      %mul3A_332 = arith.mulf %get3A_323, %get3A_331 : vector<16xf32>
      %add3A_333 = arith.addf %add3A_315, %mul3A_332 : vector<16xf32>
      %swap3A_334 = arith.index_cast %scan3A_70 : i32 to index
      %swap3A_335 = arith.constant 64 : index
      %swap3A_336 = tpu.vector_load %arg9[%swap3A_334, %swap3A_335] {strides = array<i32>} : memref<128x128xf32, #tpu.memory_space<vmem>>, vector<1x16xf32>,
      %swap3A_337 = vector.shape_cast %swap3A_336 : vector<1x16xf32> to vector<16xf32>
      %swap3A_338 = vector.shape_cast %add3A_333 : vector<16xf32> to vector<1x16xf32>
      tpu.vector_store %arg9[%swap3A_334, %swap3A_335], %swap3A_338 {strides = array<i32>} : memref<128x128xf32, #tpu.memory_space<vmem>>, vector<1x16xf32>,
      %mul3A_339 = arith.constant 3 : i32
      %mul3A_340 = arith.muli %mul3A_339, %scan3A_70 : i32
      %get3A_341 = arith.index_cast %mul3A_340 : i32 to index
      %get3A_342 = arith.constant 80 : index
      %get3A_343 = tpu.vector_load %arg10[%get3A_341, %get3A_342] {strides = array<i32>} : memref<384x128xf32, #tpu.memory_space<vmem>>, vector<1x16xf32>,
      %get3A_344 = vector.shape_cast %get3A_343 : vector<1x16xf32> to vector<16xf32>
      %mul3A_345 = arith.constant 3 : i32
      %mul3A_346 = arith.muli %mul3A_345, %scan3A_70 : i32
      %get3A_347 = arith.index_cast %mul3A_346 : i32 to index
      %get3A_348 = arith.constant 80 : index
      %get3A_349 = tpu.vector_load %arg8[%get3A_347, %get3A_348] {strides = array<i32>} : memref<384x128xf32, #tpu.memory_space<vmem>>, vector<1x16xf32>,
      %get3A_350 = vector.shape_cast %get3A_349 : vector<1x16xf32> to vector<16xf32>
      %mul3A_351 = arith.mulf %get3A_344, %get3A_350 : vector<16xf32>
      %mul3A_352 = arith.constant 3 : i32
      %mul3A_353 = arith.muli %mul3A_352, %scan3A_70 : i32
      %add3A_354 = arith.constant 1 : i32
      %add3A_355 = arith.addi %mul3A_353, %add3A_354 : i32
      %get3A_356 = arith.index_cast %add3A_355 : i32 to index
      %get3A_357 = arith.constant 80 : index
      %get3A_358 = tpu.vector_load %arg10[%get3A_356, %get3A_357] {strides = array<i32>} : memref<384x128xf32, #tpu.memory_space<vmem>>, vector<1x16xf32>,
      %get3A_359 = vector.shape_cast %get3A_358 : vector<1x16xf32> to vector<16xf32>
      %mul3A_360 = arith.constant 3 : i32
      %mul3A_361 = arith.muli %mul3A_360, %scan3A_70 : i32
      %add3A_362 = arith.constant 1 : i32
      %add3A_363 = arith.addi %mul3A_361, %add3A_362 : i32
      %get3A_364 = arith.index_cast %add3A_363 : i32 to index
      %get3A_365 = arith.constant 80 : index
      %get3A_366 = tpu.vector_load %arg8[%get3A_364, %get3A_365] {strides = array<i32>} : memref<384x128xf32, #tpu.memory_space<vmem>>, vector<1x16xf32>,
      %get3A_367 = vector.shape_cast %get3A_366 : vector<1x16xf32> to vector<16xf32>
      %mul3A_368 = arith.mulf %get3A_359, %get3A_367 : vector<16xf32>
      %add3A_369 = arith.addf %mul3A_351, %mul3A_368 : vector<16xf32>
      %mul3A_370 = arith.constant 3 : i32
      %mul3A_371 = arith.muli %mul3A_370, %scan3A_70 : i32
      %add3A_372 = arith.constant 2 : i32
      %add3A_373 = arith.addi %mul3A_371, %add3A_372 : i32
      %get3A_374 = arith.index_cast %add3A_373 : i32 to index
      %get3A_375 = arith.constant 80 : index
      %get3A_376 = tpu.vector_load %arg10[%get3A_374, %get3A_375] {strides = array<i32>} : memref<384x128xf32, #tpu.memory_space<vmem>>, vector<1x16xf32>,
      %get3A_377 = vector.shape_cast %get3A_376 : vector<1x16xf32> to vector<16xf32>
      %mul3A_378 = arith.constant 3 : i32
      %mul3A_379 = arith.muli %mul3A_378, %scan3A_70 : i32
      %add3A_380 = arith.constant 2 : i32
      %add3A_381 = arith.addi %mul3A_379, %add3A_380 : i32
      %get3A_382 = arith.index_cast %add3A_381 : i32 to index
      %get3A_383 = arith.constant 80 : index
      %get3A_384 = tpu.vector_load %arg8[%get3A_382, %get3A_383] {strides = array<i32>} : memref<384x128xf32, #tpu.memory_space<vmem>>, vector<1x16xf32>,
      %get3A_385 = vector.shape_cast %get3A_384 : vector<1x16xf32> to vector<16xf32>
      %mul3A_386 = arith.mulf %get3A_377, %get3A_385 : vector<16xf32>
      %add3A_387 = arith.addf %add3A_369, %mul3A_386 : vector<16xf32>
      %swap3A_388 = arith.index_cast %scan3A_70 : i32 to index
      %swap3A_389 = arith.constant 80 : index
      %swap3A_390 = tpu.vector_load %arg9[%swap3A_388, %swap3A_389] {strides = array<i32>} : memref<128x128xf32, #tpu.memory_space<vmem>>, vector<1x16xf32>,
      %swap3A_391 = vector.shape_cast %swap3A_390 : vector<1x16xf32> to vector<16xf32>
      %swap3A_392 = vector.shape_cast %add3A_387 : vector<16xf32> to vector<1x16xf32>
      tpu.vector_store %arg9[%swap3A_388, %swap3A_389], %swap3A_392 {strides = array<i32>} : memref<128x128xf32, #tpu.memory_space<vmem>>, vector<1x16xf32>,
      %mul3A_393 = arith.constant 3 : i32
      %mul3A_394 = arith.muli %mul3A_393, %scan3A_70 : i32
      %get3A_395 = arith.index_cast %mul3A_394 : i32 to index
      %get3A_396 = arith.constant 96 : index
      %get3A_397 = tpu.vector_load %arg10[%get3A_395, %get3A_396] {strides = array<i32>} : memref<384x128xf32, #tpu.memory_space<vmem>>, vector<1x16xf32>,
      %get3A_398 = vector.shape_cast %get3A_397 : vector<1x16xf32> to vector<16xf32>
      %mul3A_399 = arith.constant 3 : i32
      %mul3A_400 = arith.muli %mul3A_399, %scan3A_70 : i32
      %get3A_401 = arith.index_cast %mul3A_400 : i32 to index
      %get3A_402 = arith.constant 96 : index
      %get3A_403 = tpu.vector_load %arg8[%get3A_401, %get3A_402] {strides = array<i32>} : memref<384x128xf32, #tpu.memory_space<vmem>>, vector<1x16xf32>,
      %get3A_404 = vector.shape_cast %get3A_403 : vector<1x16xf32> to vector<16xf32>
      %mul3A_405 = arith.mulf %get3A_398, %get3A_404 : vector<16xf32>
      %mul3A_406 = arith.constant 3 : i32
      %mul3A_407 = arith.muli %mul3A_406, %scan3A_70 : i32
      %add3A_408 = arith.constant 1 : i32
      %add3A_409 = arith.addi %mul3A_407, %add3A_408 : i32
      %get3A_410 = arith.index_cast %add3A_409 : i32 to index
      %get3A_411 = arith.constant 96 : index
      %get3A_412 = tpu.vector_load %arg10[%get3A_410, %get3A_411] {strides = array<i32>} : memref<384x128xf32, #tpu.memory_space<vmem>>, vector<1x16xf32>,
      %get3A_413 = vector.shape_cast %get3A_412 : vector<1x16xf32> to vector<16xf32>
      %mul3A_414 = arith.constant 3 : i32
      %mul3A_415 = arith.muli %mul3A_414, %scan3A_70 : i32
      %add3A_416 = arith.constant 1 : i32
      %add3A_417 = arith.addi %mul3A_415, %add3A_416 : i32
      %get3A_418 = arith.index_cast %add3A_417 : i32 to index
      %get3A_419 = arith.constant 96 : index
      %get3A_420 = tpu.vector_load %arg8[%get3A_418, %get3A_419] {strides = array<i32>} : memref<384x128xf32, #tpu.memory_space<vmem>>, vector<1x16xf32>,
      %get3A_421 = vector.shape_cast %get3A_420 : vector<1x16xf32> to vector<16xf32>
      %mul3A_422 = arith.mulf %get3A_413, %get3A_421 : vector<16xf32>
      %add3A_423 = arith.addf %mul3A_405, %mul3A_422 : vector<16xf32>
      %mul3A_424 = arith.constant 3 : i32
      %mul3A_425 = arith.muli %mul3A_424, %scan3A_70 : i32
      %add3A_426 = arith.constant 2 : i32
      %add3A_427 = arith.addi %mul3A_425, %add3A_426 : i32
      %get3A_428 = arith.index_cast %add3A_427 : i32 to index
      %get3A_429 = arith.constant 96 : index
      %get3A_430 = tpu.vector_load %arg10[%get3A_428, %get3A_429] {strides = array<i32>} : memref<384x128xf32, #tpu.memory_space<vmem>>, vector<1x16xf32>,
      %get3A_431 = vector.shape_cast %get3A_430 : vector<1x16xf32> to vector<16xf32>
      %mul3A_432 = arith.constant 3 : i32
      %mul3A_433 = arith.muli %mul3A_432, %scan3A_70 : i32
      %add3A_434 = arith.constant 2 : i32
      %add3A_435 = arith.addi %mul3A_433, %add3A_434 : i32
      %get3A_436 = arith.index_cast %add3A_435 : i32 to index
      %get3A_437 = arith.constant 96 : index
      %get3A_438 = tpu.vector_load %arg8[%get3A_436, %get3A_437] {strides = array<i32>} : memref<384x128xf32, #tpu.memory_space<vmem>>, vector<1x16xf32>,
      %get3A_439 = vector.shape_cast %get3A_438 : vector<1x16xf32> to vector<16xf32>
      %mul3A_440 = arith.mulf %get3A_431, %get3A_439 : vector<16xf32>
      %add3A_441 = arith.addf %add3A_423, %mul3A_440 : vector<16xf32>
      %swap3A_442 = arith.index_cast %scan3A_70 : i32 to index
      %swap3A_443 = arith.constant 96 : index
      %swap3A_444 = tpu.vector_load %arg9[%swap3A_442, %swap3A_443] {strides = array<i32>} : memref<128x128xf32, #tpu.memory_space<vmem>>, vector<1x16xf32>,
      %swap3A_445 = vector.shape_cast %swap3A_444 : vector<1x16xf32> to vector<16xf32>
      %swap3A_446 = vector.shape_cast %add3A_441 : vector<16xf32> to vector<1x16xf32>
      tpu.vector_store %arg9[%swap3A_442, %swap3A_443], %swap3A_446 {strides = array<i32>} : memref<128x128xf32, #tpu.memory_space<vmem>>, vector<1x16xf32>,
      %mul3A_447 = arith.constant 3 : i32
      %mul3A_448 = arith.muli %mul3A_447, %scan3A_70 : i32
      %get3A_449 = arith.index_cast %mul3A_448 : i32 to index
      %get3A_450 = arith.constant 112 : index
      %get3A_451 = tpu.vector_load %arg10[%get3A_449, %get3A_450] {strides = array<i32>} : memref<384x128xf32, #tpu.memory_space<vmem>>, vector<1x16xf32>,
      %get3A_452 = vector.shape_cast %get3A_451 : vector<1x16xf32> to vector<16xf32>
      %mul3A_453 = arith.constant 3 : i32
      %mul3A_454 = arith.muli %mul3A_453, %scan3A_70 : i32
      %get3A_455 = arith.index_cast %mul3A_454 : i32 to index
      %get3A_456 = arith.constant 112 : index
      %get3A_457 = tpu.vector_load %arg8[%get3A_455, %get3A_456] {strides = array<i32>} : memref<384x128xf32, #tpu.memory_space<vmem>>, vector<1x16xf32>,
      %get3A_458 = vector.shape_cast %get3A_457 : vector<1x16xf32> to vector<16xf32>
      %mul3A_459 = arith.mulf %get3A_452, %get3A_458 : vector<16xf32>
      %mul3A_460 = arith.constant 3 : i32
      %mul3A_461 = arith.muli %mul3A_460, %scan3A_70 : i32
      %add3A_462 = arith.constant 1 : i32
      %add3A_463 = arith.addi %mul3A_461, %add3A_462 : i32
      %get3A_464 = arith.index_cast %add3A_463 : i32 to index
      %get3A_465 = arith.constant 112 : index
      %get3A_466 = tpu.vector_load %arg10[%get3A_464, %get3A_465] {strides = array<i32>} : memref<384x128xf32, #tpu.memory_space<vmem>>, vector<1x16xf32>,
      %get3A_467 = vector.shape_cast %get3A_466 : vector<1x16xf32> to vector<16xf32>
      %mul3A_468 = arith.constant 3 : i32
      %mul3A_469 = arith.muli %mul3A_468, %scan3A_70 : i32
      %add3A_470 = arith.constant 1 : i32
      %add3A_471 = arith.addi %mul3A_469, %add3A_470 : i32
      %get3A_472 = arith.index_cast %add3A_471 : i32 to index
      %get3A_473 = arith.constant 112 : index
      %get3A_474 = tpu.vector_load %arg8[%get3A_472, %get3A_473] {strides = array<i32>} : memref<384x128xf32, #tpu.memory_space<vmem>>, vector<1x16xf32>,
      %get3A_475 = vector.shape_cast %get3A_474 : vector<1x16xf32> to vector<16xf32>
      %mul3A_476 = arith.mulf %get3A_467, %get3A_475 : vector<16xf32>
      %add3A_477 = arith.addf %mul3A_459, %mul3A_476 : vector<16xf32>
      %mul3A_478 = arith.constant 3 : i32
      %mul3A_479 = arith.muli %mul3A_478, %scan3A_70 : i32
      %add3A_480 = arith.constant 2 : i32
      %add3A_481 = arith.addi %mul3A_479, %add3A_480 : i32
      %get3A_482 = arith.index_cast %add3A_481 : i32 to index
      %get3A_483 = arith.constant 112 : index
      %get3A_484 = tpu.vector_load %arg10[%get3A_482, %get3A_483] {strides = array<i32>} : memref<384x128xf32, #tpu.memory_space<vmem>>, vector<1x16xf32>,
      %get3A_485 = vector.shape_cast %get3A_484 : vector<1x16xf32> to vector<16xf32>
      %mul3A_486 = arith.constant 3 : i32
      %mul3A_487 = arith.muli %mul3A_486, %scan3A_70 : i32
      %add3A_488 = arith.constant 2 : i32
      %add3A_489 = arith.addi %mul3A_487, %add3A_488 : i32
      %get3A_490 = arith.index_cast %add3A_489 : i32 to index
      %get3A_491 = arith.constant 112 : index
      %get3A_492 = tpu.vector_load %arg8[%get3A_490, %get3A_491] {strides = array<i32>} : memref<384x128xf32, #tpu.memory_space<vmem>>, vector<1x16xf32>,
      %get3A_493 = vector.shape_cast %get3A_492 : vector<1x16xf32> to vector<16xf32>
      %mul3A_494 = arith.mulf %get3A_485, %get3A_493 : vector<16xf32>
      %add3A_495 = arith.addf %add3A_477, %mul3A_494 : vector<16xf32>
      %swap3A_496 = arith.index_cast %scan3A_70 : i32 to index
      %swap3A_497 = arith.constant 112 : index
      %swap3A_498 = tpu.vector_load %arg9[%swap3A_496, %swap3A_497] {strides = array<i32>} : memref<128x128xf32, #tpu.memory_space<vmem>>, vector<1x16xf32>,
      %swap3A_499 = vector.shape_cast %swap3A_498 : vector<1x16xf32> to vector<16xf32>
      %swap3A_500 = vector.shape_cast %add3A_495 : vector<16xf32> to vector<1x16xf32>
      tpu.vector_store %arg9[%swap3A_496, %swap3A_497], %swap3A_500 {strides = array<i32>} : memref<128x128xf32, #tpu.memory_space<vmem>>, vector<1x16xf32>,
    }
    %scan3A_67 = arith.constant 128 : i32
    %mul3A_68 = arith.constant 128 : i32
    %mul3A_69 = arith.muli %mul3A_68, %add3A : i32
    "tpu.region"() ({
      %run_scoped3A = tpu.sem_alloc : memref<!tpu.dma_semaphore, #tpu.memory_space<semaphore_mem>>
      %dma_start3A_70 = arith.constant 0 : i32
      %dma_start3A_71 = tpu.memref_slice %arg6[%mul3A_69, %dma_start3A_70] : memref<4096x128xf32, #tpu.memory_space<hbm>> -> memref<128x128xf32, #tpu.memory_space<hbm>>
      %dma_start3A_72 = arith.constant 0 : i32
      %dma_start3A_73 = tpu.memref_slice %arg6[%mul3A_69, %dma_start3A_72] : memref<4096x128xf32, #tpu.memory_space<hbm>> -> memref<128x128xf32, #tpu.memory_space<hbm>>
      tpu.enqueue_dma source(%arg9 : memref<128x128xf32, #tpu.memory_space<vmem>>) target(%dma_start3A_73 : memref<128x128xf32, #tpu.memory_space<hbm>>) target_semaphore(%run_scoped3A : memref<!tpu.dma_semaphore, #tpu.memory_space<semaphore_mem>>)
      %dma_wait3A_74 = arith.constant 0 : i32
      %dma_wait3A_75 = tpu.memref_slice %arg6[%mul3A_69, %dma_wait3A_74] : memref<4096x128xf32, #tpu.memory_space<hbm>> -> memref<128x128xf32, #tpu.memory_space<hbm>>
      %dma_wait3A_76 = arith.constant 0 : i32
      %dma_wait3A_77 = tpu.memref_slice %arg6[%mul3A_69, %dma_wait3A_76] : memref<4096x128xf32, #tpu.memory_space<hbm>> -> memref<128x128xf32, #tpu.memory_space<hbm>>
      tpu.wait_dma2 semaphore(%run_scoped3A : memref<!tpu.dma_semaphore, #tpu.memory_space<semaphore_mem>>) src(%arg9 : memref<128x128xf32, #tpu.memory_space<vmem>>) dst(%dma_wait3A_77 : memref<128x128xf32, #tpu.memory_space<hbm>>)
      tpu.yield
    }) : () -> ()
    return
  }
}

module attributes {stable_mosaic.version = 14 : i64} {
  func.func @_tc_body(%arg0: i32, %arg1: i32, %arg2: memref<128x1024xf32, #tpu.memory_space<vmem>>, %arg3: memref<2000x128xf32, #tpu.memory_space<vmem>>, %arg4: memref<4x1024xi32, #tpu.memory_space<vmem>>, %arg5: memref<1x1024xf32, #tpu.memory_space<vmem>>, %arg6: memref<1x1024xf32, #tpu.memory_space<vmem>>, %arg7: memref<1x1024xf32, #tpu.memory_space<vmem>>, %arg8: memref<1x1024xf32, #tpu.memory_space<vmem>>, %arg9: memref<1x1024xf32, #tpu.memory_space<vmem>>, %arg10: memref<1x1024xf32, #tpu.memory_space<vmem>>, %arg11: memref<1x1024xf32, #tpu.memory_space<vmem>>, %arg12: memref<1x1024xf32, #tpu.memory_space<vmem>>, %arg13: memref<1x1024xf32, #tpu.memory_space<vmem>>, %arg14: memref<1x1024xf32, #tpu.memory_space<vmem>>) attributes {dimension_semantics = [#tpu.dimension_semantics<arbitrary>, #tpu.dimension_semantics<arbitrary>], iteration_bounds = array<i64: 4, 50>, scalar_prefetch = 0 : i64, scratch_operands = 9 : i64, tpu.core_type = #tpu.core_type<tc>, window_params = [{transform_indices = @transform_0, window_bounds = array<i64: 128, 1024>}, {transform_indices = @transform_1, window_bounds = array<i64: 2000, 128>}, {transform_indices = @transform_2, window_bounds = array<i64: 4, 1024>}, {transform_indices = @transform_3, window_bounds = array<i64: 1, 1024>}]} {
    %eq3A = arith.constant 0 : i32
    %eq3A_0 = arith.cmpi eq, %arg1, %eq3A : i32
    %convert_element_type3A = arith.extui %eq3A_0 : i1 to i32
    %cond3A = arith.constant 0 : i32
    %cond3A_1 = arith.cmpi ne, %convert_element_type3A, %cond3A : i32
    scf.if %cond3A_1 {
      %broadcast_in_dim3A_503 = arith.constant -3.000000e+38 : f32
      %broadcast_in_dim3A_504 = vector.broadcast %broadcast_in_dim3A_503 : f32 to vector<1x1024xf32>
      %swap3A_505 = arith.constant 0 : index
      %swap3A_506 = arith.constant 0 : index
      %swap3A_507 = vector.load %arg6[%swap3A_505, %swap3A_506] : memref<1x1024xf32, #tpu.memory_space<vmem>>, vector<1x1024xf32>
      tpu.vector_store %arg6[%swap3A_505, %swap3A_506], %broadcast_in_dim3A_504 {strides = array<i32>} : memref<1x1024xf32, #tpu.memory_space<vmem>>, vector<1x1024xf32>,
      %swap3A_508 = arith.constant 0 : index
      %swap3A_509 = arith.constant 0 : index
      %swap3A_510 = vector.load %arg7[%swap3A_508, %swap3A_509] : memref<1x1024xf32, #tpu.memory_space<vmem>>, vector<1x1024xf32>
      tpu.vector_store %arg7[%swap3A_508, %swap3A_509], %broadcast_in_dim3A_504 {strides = array<i32>} : memref<1x1024xf32, #tpu.memory_space<vmem>>, vector<1x1024xf32>,
      %swap3A_511 = arith.constant 0 : index
      %swap3A_512 = arith.constant 0 : index
      %swap3A_513 = vector.load %arg8[%swap3A_511, %swap3A_512] : memref<1x1024xf32, #tpu.memory_space<vmem>>, vector<1x1024xf32>
      tpu.vector_store %arg8[%swap3A_511, %swap3A_512], %broadcast_in_dim3A_504 {strides = array<i32>} : memref<1x1024xf32, #tpu.memory_space<vmem>>, vector<1x1024xf32>,
      %swap3A_514 = arith.constant 0 : index
      %swap3A_515 = arith.constant 0 : index
      %swap3A_516 = vector.load %arg9[%swap3A_514, %swap3A_515] : memref<1x1024xf32, #tpu.memory_space<vmem>>, vector<1x1024xf32>
      tpu.vector_store %arg9[%swap3A_514, %swap3A_515], %broadcast_in_dim3A_504 {strides = array<i32>} : memref<1x1024xf32, #tpu.memory_space<vmem>>, vector<1x1024xf32>,
      %broadcast_in_dim3A_517 = arith.constant 0.000000e+00 : f32
      %broadcast_in_dim3A_518 = vector.broadcast %broadcast_in_dim3A_517 : f32 to vector<1x1024xf32>
      %swap3A_519 = arith.constant 0 : index
      %swap3A_520 = arith.constant 0 : index
      %swap3A_521 = vector.load %arg10[%swap3A_519, %swap3A_520] : memref<1x1024xf32, #tpu.memory_space<vmem>>, vector<1x1024xf32>
      tpu.vector_store %arg10[%swap3A_519, %swap3A_520], %broadcast_in_dim3A_518 {strides = array<i32>} : memref<1x1024xf32, #tpu.memory_space<vmem>>, vector<1x1024xf32>,
      %swap3A_522 = arith.constant 0 : index
      %swap3A_523 = arith.constant 0 : index
      %swap3A_524 = vector.load %arg11[%swap3A_522, %swap3A_523] : memref<1x1024xf32, #tpu.memory_space<vmem>>, vector<1x1024xf32>
      tpu.vector_store %arg11[%swap3A_522, %swap3A_523], %broadcast_in_dim3A_518 {strides = array<i32>} : memref<1x1024xf32, #tpu.memory_space<vmem>>, vector<1x1024xf32>,
      %swap3A_525 = arith.constant 0 : index
      %swap3A_526 = arith.constant 0 : index
      %swap3A_527 = vector.load %arg12[%swap3A_525, %swap3A_526] : memref<1x1024xf32, #tpu.memory_space<vmem>>, vector<1x1024xf32>
      tpu.vector_store %arg12[%swap3A_525, %swap3A_526], %broadcast_in_dim3A_518 {strides = array<i32>} : memref<1x1024xf32, #tpu.memory_space<vmem>>, vector<1x1024xf32>,
      %swap3A_528 = arith.constant 0 : index
      %swap3A_529 = arith.constant 0 : index
      %swap3A_530 = vector.load %arg13[%swap3A_528, %swap3A_529] : memref<1x1024xf32, #tpu.memory_space<vmem>>, vector<1x1024xf32>
      tpu.vector_store %arg13[%swap3A_528, %swap3A_529], %broadcast_in_dim3A_518 {strides = array<i32>} : memref<1x1024xf32, #tpu.memory_space<vmem>>, vector<1x1024xf32>,
      %broadcast_in_dim3A_531 = arith.constant 0.000000e+00 : f32
      %broadcast_in_dim3A_532 = vector.broadcast %broadcast_in_dim3A_531 : f32 to vector<1x1024xf32>
      %swap3A_533 = arith.constant 0 : index
      %swap3A_534 = arith.constant 0 : index
      %swap3A_535 = vector.load %arg14[%swap3A_533, %swap3A_534] : memref<1x1024xf32, #tpu.memory_space<vmem>>, vector<1x1024xf32>
      tpu.vector_store %arg14[%swap3A_533, %swap3A_534], %broadcast_in_dim3A_532 {strides = array<i32>} : memref<1x1024xf32, #tpu.memory_space<vmem>>, vector<1x1024xf32>,
    } else {
    }
    %get3A = arith.constant 0 : index
    %get3A_2 = arith.constant 0 : index
    %get3A_3 = vector.load %arg2[%get3A, %get3A_2] : memref<128x1024xf32, #tpu.memory_space<vmem>>, vector<128x1024xf32>
    %get3A_4 = arith.constant 0 : index
    %get3A_5 = arith.constant 0 : index
    %get3A_6 = vector.load %arg3[%get3A_4, %get3A_5] : memref<2000x128xf32, #tpu.memory_space<vmem>>, vector<2000x128xf32>
    %convert_element_type3A_7 = arith.truncf %get3A_6 : vector<2000x128xf32> to vector<2000x128xbf16>
    %convert_element_type3A_8 = arith.truncf %get3A_3 : vector<128x1024xf32> to vector<128x1024xbf16>
    %dot_general3A = arith.constant dense<0.000000e+00> : vector<2000x1024xf32>
    %dot_general3A_9 = tpu.matmul %convert_element_type3A_7, %convert_element_type3A_8, %dot_general3A {dimension_numbers = #tpu.dot_dimension_numbers<[1], [0], [0], [1], [0, 0, 1, 1], [], []>, transpose_lhs_hint = false} : vector<2000x128xbf16>, vector<128x1024xbf16>, vector<2000x1024xf32> -> vector<2000x1024xf32>
    %mul3A = arith.mulf %get3A_6, %get3A_6 : vector<2000x128xf32>
    %add3A = arith.constant 9.99999997E-7 : f32
    %add3A_10 = vector.broadcast %add3A : f32 to vector<2000x128xf32>
    %add3A_11 = arith.addf %mul3A, %add3A_10 : vector<2000x128xf32>
    %reduce_sum3A = arith.constant dense<0.000000e+00> : vector<2000xf32>
    %reduce_sum3A_12 = vector.multi_reduction <add>, %add3A_11, %reduce_sum3A [1] : vector<2000x128xf32> to vector<2000xf32>
    %broadcast_in_dim3A = vector.shape_cast %reduce_sum3A_12 : vector<2000xf32> to vector<2000x1xf32>
    %sqrt3A = math.sqrt %broadcast_in_dim3A : vector<2000x1xf32>
    %div3A = arith.constant 1.000000e+00 : f32
    %div3A_13 = vector.broadcast %div3A : f32 to vector<2000x1xf32>
    %div3A_14 = arith.divf %div3A_13, %sqrt3A : vector<2000x1xf32>
    %mul3A_15 = arith.mulf %get3A_3, %get3A_3 : vector<128x1024xf32>
    %add3A_16 = arith.constant 9.99999997E-7 : f32
    %add3A_17 = vector.broadcast %add3A_16 : f32 to vector<128x1024xf32>
    %add3A_18 = arith.addf %mul3A_15, %add3A_17 : vector<128x1024xf32>
    %reduce_sum3A_19 = arith.constant dense<0.000000e+00> : vector<1024xf32>
    %reduce_sum3A_20 = vector.multi_reduction <add>, %add3A_18, %reduce_sum3A_19 [0] : vector<128x1024xf32> to vector<1024xf32>
    %broadcast_in_dim3A_21 = vector.shape_cast %reduce_sum3A_20 : vector<1024xf32> to vector<1x1024xf32>
    %sqrt3A_22 = math.sqrt %broadcast_in_dim3A_21 : vector<1x1024xf32>
    %div3A_23 = arith.constant 1.44269502 : f32
    %div3A_24 = vector.broadcast %div3A_23 : f32 to vector<1x1024xf32>
    %div3A_25 = arith.divf %div3A_24, %sqrt3A_22 : vector<1x1024xf32>
    %mul3A_26 = vector.broadcast %div3A_14 : vector<2000x1xf32> to vector<2000x1024xf32>
    %mul3A_27 = arith.mulf %dot_general3A_9, %mul3A_26 : vector<2000x1024xf32>
    %iota3A = tpu.iota {dimensions = array<i32: 0>} : vector<2000x1024xi32>
    %convert_element_type3A_28 = arith.sitofp %iota3A : vector<2000x1024xi32> to vector<2000x1024xf32>
    %get3A_29 = arith.constant 0 : index
    %get3A_30 = arith.constant 0 : index
    %get3A_31 = vector.load %arg14[%get3A_29, %get3A_30] : memref<1x1024xf32, #tpu.memory_space<vmem>>, vector<1x1024xf32>
    %mul3A_32 = vector.broadcast %div3A_25 : vector<1x1024xf32> to vector<2000x1024xf32>
    %mul3A_33 = arith.mulf %mul3A_27, %mul3A_32 : vector<2000x1024xf32>
    %exp23A = math.exp2 %mul3A_33 : vector<2000x1024xf32>
    %reduce_sum3A_34 = arith.constant dense<0.000000e+00> : vector<1024xf32>
    %reduce_sum3A_35 = vector.multi_reduction <add>, %exp23A, %reduce_sum3A_34 [0] : vector<2000x1024xf32> to vector<1024xf32>
    %broadcast_in_dim3A_36 = vector.shape_cast %reduce_sum3A_35 : vector<1024xf32> to vector<1x1024xf32>
    %add3A_37 = arith.addf %get3A_31, %broadcast_in_dim3A_36 : vector<1x1024xf32>
    %swap3A = arith.constant 0 : index
    %swap3A_38 = arith.constant 0 : index
    %swap3A_39 = vector.load %arg14[%swap3A, %swap3A_38] : memref<1x1024xf32, #tpu.memory_space<vmem>>, vector<1x1024xf32>
    tpu.vector_store %arg14[%swap3A, %swap3A_38], %add3A_37 {strides = array<i32>} : memref<1x1024xf32, #tpu.memory_space<vmem>>, vector<1x1024xf32>,
    %reduce_max3A = arith.constant dense<0xFF800000> : vector<1024xf32>
    %reduce_max3A_40 = vector.multi_reduction <maximumf>, %mul3A_27, %reduce_max3A [0] : vector<2000x1024xf32> to vector<1024xf32>
    %broadcast_in_dim3A_41 = vector.shape_cast %reduce_max3A_40 : vector<1024xf32> to vector<1x1024xf32>
    %eq3A_42 = vector.broadcast %broadcast_in_dim3A_41 : vector<1x1024xf32> to vector<2000x1024xf32>
    %eq3A_43 = arith.cmpf oeq, %mul3A_27, %eq3A_42 : vector<2000x1024xf32>
    %jit3A = arith.constant 2.000000e+03 : f32
    %broadcast_in_dim3A_44 = vector.broadcast %jit3A : f32 to vector<2000x1024xf32>
    %select_n3A = arith.select %eq3A_43, %convert_element_type3A_28, %broadcast_in_dim3A_44 : vector<2000x1024xi1>, vector<2000x1024xf32>
    %reduce_min3A = arith.constant dense<0x7F800000> : vector<1024xf32>
    %reduce_min3A_45 = vector.multi_reduction <minimumf>, %select_n3A, %reduce_min3A [0] : vector<2000x1024xf32> to vector<1024xf32>
    %broadcast_in_dim3A_46 = vector.shape_cast %reduce_min3A_45 : vector<1024xf32> to vector<1x1024xf32>
    %mul3A_47 = arith.constant 2000 : i32
    %mul3A_48 = arith.muli %arg1, %mul3A_47 : i32
    %convert_element_type3A_49 = arith.sitofp %mul3A_48 : i32 to f32
    %add3A_50 = vector.broadcast %convert_element_type3A_49 : f32 to vector<1x1024xf32>
    %add3A_51 = arith.addf %broadcast_in_dim3A_46, %add3A_50 : vector<1x1024xf32>
    %eq3A_52 = vector.broadcast %broadcast_in_dim3A_46 : vector<1x1024xf32> to vector<2000x1024xf32>
    %eq3A_53 = arith.cmpf oeq, %convert_element_type3A_28, %eq3A_52 : vector<2000x1024xf32>
    %jit3A_54 = arith.constant -3.000000e+38 : f32
    %broadcast_in_dim3A_55 = vector.broadcast %jit3A_54 : f32 to vector<2000x1024xf32>
    %select_n3A_56 = arith.select %eq3A_53, %broadcast_in_dim3A_55, %mul3A_27 : vector<2000x1024xi1>, vector<2000x1024xf32>
    %get3A_57 = arith.constant 0 : index
    %get3A_58 = arith.constant 0 : index
    %get3A_59 = vector.load %arg6[%get3A_57, %get3A_58] : memref<1x1024xf32, #tpu.memory_space<vmem>>, vector<1x1024xf32>
    %gt3A = arith.cmpf ogt, %broadcast_in_dim3A_41, %get3A_59 : vector<1x1024xf32>
    %get3A_60 = arith.constant 0 : index
    %get3A_61 = arith.constant 0 : index
    %get3A_62 = vector.load %arg7[%get3A_60, %get3A_61] : memref<1x1024xf32, #tpu.memory_space<vmem>>, vector<1x1024xf32>
    %gt3A_63 = arith.cmpf ogt, %broadcast_in_dim3A_41, %get3A_62 : vector<1x1024xf32>
    %get3A_64 = arith.constant 0 : index
    %get3A_65 = arith.constant 0 : index
    %get3A_66 = vector.load %arg8[%get3A_64, %get3A_65] : memref<1x1024xf32, #tpu.memory_space<vmem>>, vector<1x1024xf32>
    %gt3A_67 = arith.cmpf ogt, %broadcast_in_dim3A_41, %get3A_66 : vector<1x1024xf32>
    %get3A_68 = arith.constant 0 : index
    %get3A_69 = arith.constant 0 : index
    %get3A_70 = vector.load %arg9[%get3A_68, %get3A_69] : memref<1x1024xf32, #tpu.memory_space<vmem>>, vector<1x1024xf32>
    %gt3A_71 = arith.cmpf ogt, %broadcast_in_dim3A_41, %get3A_70 : vector<1x1024xf32>
    %get3A_72 = arith.constant 0 : index
    %get3A_73 = arith.constant 0 : index
    %get3A_74 = vector.load %arg8[%get3A_72, %get3A_73] : memref<1x1024xf32, #tpu.memory_space<vmem>>, vector<1x1024xf32>
    %get3A_75 = arith.constant 0 : index
    %get3A_76 = arith.constant 0 : index
    %get3A_77 = vector.load %arg9[%get3A_75, %get3A_76] : memref<1x1024xf32, #tpu.memory_space<vmem>>, vector<1x1024xf32>
    %select_n3A_78 = arith.select %gt3A_71, %broadcast_in_dim3A_41, %get3A_77 : vector<1x1024xi1>, vector<1x1024xf32>
    %select_n3A_79 = arith.select %gt3A_67, %get3A_74, %select_n3A_78 : vector<1x1024xi1>, vector<1x1024xf32>
    %swap3A_80 = arith.constant 0 : index
    %swap3A_81 = arith.constant 0 : index
    %swap3A_82 = vector.load %arg9[%swap3A_80, %swap3A_81] : memref<1x1024xf32, #tpu.memory_space<vmem>>, vector<1x1024xf32>
    tpu.vector_store %arg9[%swap3A_80, %swap3A_81], %select_n3A_79 {strides = array<i32>} : memref<1x1024xf32, #tpu.memory_space<vmem>>, vector<1x1024xf32>,
    %get3A_83 = arith.constant 0 : index
    %get3A_84 = arith.constant 0 : index
    %get3A_85 = vector.load %arg12[%get3A_83, %get3A_84] : memref<1x1024xf32, #tpu.memory_space<vmem>>, vector<1x1024xf32>
    %get3A_86 = arith.constant 0 : index
    %get3A_87 = arith.constant 0 : index
    %get3A_88 = vector.load %arg13[%get3A_86, %get3A_87] : memref<1x1024xf32, #tpu.memory_space<vmem>>, vector<1x1024xf32>
    %select_n3A_89 = arith.select %gt3A_71, %add3A_51, %get3A_88 : vector<1x1024xi1>, vector<1x1024xf32>
    %select_n3A_90 = arith.select %gt3A_67, %get3A_85, %select_n3A_89 : vector<1x1024xi1>, vector<1x1024xf32>
    %swap3A_91 = arith.constant 0 : index
    %swap3A_92 = arith.constant 0 : index
    %swap3A_93 = vector.load %arg13[%swap3A_91, %swap3A_92] : memref<1x1024xf32, #tpu.memory_space<vmem>>, vector<1x1024xf32>
    tpu.vector_store %arg13[%swap3A_91, %swap3A_92], %select_n3A_90 {strides = array<i32>} : memref<1x1024xf32, #tpu.memory_space<vmem>>, vector<1x1024xf32>,
    %get3A_94 = arith.constant 0 : index
    %get3A_95 = arith.constant 0 : index
    %get3A_96 = vector.load %arg7[%get3A_94, %get3A_95] : memref<1x1024xf32, #tpu.memory_space<vmem>>, vector<1x1024xf32>
    %get3A_97 = arith.constant 0 : index
    %get3A_98 = arith.constant 0 : index
    %get3A_99 = vector.load %arg8[%get3A_97, %get3A_98] : memref<1x1024xf32, #tpu.memory_space<vmem>>, vector<1x1024xf32>
    %select_n3A_100 = arith.select %gt3A_67, %broadcast_in_dim3A_41, %get3A_99 : vector<1x1024xi1>, vector<1x1024xf32>
    %select_n3A_101 = arith.select %gt3A_63, %get3A_96, %select_n3A_100 : vector<1x1024xi1>, vector<1x1024xf32>
    %swap3A_102 = arith.constant 0 : index
    %swap3A_103 = arith.constant 0 : index
    %swap3A_104 = vector.load %arg8[%swap3A_102, %swap3A_103] : memref<1x1024xf32, #tpu.memory_space<vmem>>, vector<1x1024xf32>
    tpu.vector_store %arg8[%swap3A_102, %swap3A_103], %select_n3A_101 {strides = array<i32>} : memref<1x1024xf32, #tpu.memory_space<vmem>>, vector<1x1024xf32>,
    %get3A_105 = arith.constant 0 : index
    %get3A_106 = arith.constant 0 : index
    %get3A_107 = vector.load %arg11[%get3A_105, %get3A_106] : memref<1x1024xf32, #tpu.memory_space<vmem>>, vector<1x1024xf32>
    %get3A_108 = arith.constant 0 : index
    %get3A_109 = arith.constant 0 : index
    %get3A_110 = vector.load %arg12[%get3A_108, %get3A_109] : memref<1x1024xf32, #tpu.memory_space<vmem>>, vector<1x1024xf32>
    %select_n3A_111 = arith.select %gt3A_67, %add3A_51, %get3A_110 : vector<1x1024xi1>, vector<1x1024xf32>
    %select_n3A_112 = arith.select %gt3A_63, %get3A_107, %select_n3A_111 : vector<1x1024xi1>, vector<1x1024xf32>
    %swap3A_113 = arith.constant 0 : index
    %swap3A_114 = arith.constant 0 : index
    %swap3A_115 = vector.load %arg12[%swap3A_113, %swap3A_114] : memref<1x1024xf32, #tpu.memory_space<vmem>>, vector<1x1024xf32>
    tpu.vector_store %arg12[%swap3A_113, %swap3A_114], %select_n3A_112 {strides = array<i32>} : memref<1x1024xf32, #tpu.memory_space<vmem>>, vector<1x1024xf32>,
    %get3A_116 = arith.constant 0 : index
    %get3A_117 = arith.constant 0 : index
    %get3A_118 = vector.load %arg6[%get3A_116, %get3A_117] : memref<1x1024xf32, #tpu.memory_space<vmem>>, vector<1x1024xf32>
    %get3A_119 = arith.constant 0 : index
    %get3A_120 = arith.constant 0 : index
    %get3A_121 = vector.load %arg7[%get3A_119, %get3A_120] : memref<1x1024xf32, #tpu.memory_space<vmem>>, vector<1x1024xf32>
    %select_n3A_122 = arith.select %gt3A_63, %broadcast_in_dim3A_41, %get3A_121 : vector<1x1024xi1>, vector<1x1024xf32>
    %select_n3A_123 = arith.select %gt3A, %get3A_118, %select_n3A_122 : vector<1x1024xi1>, vector<1x1024xf32>
    %swap3A_124 = arith.constant 0 : index
    %swap3A_125 = arith.constant 0 : index
    %swap3A_126 = vector.load %arg7[%swap3A_124, %swap3A_125] : memref<1x1024xf32, #tpu.memory_space<vmem>>, vector<1x1024xf32>
    tpu.vector_store %arg7[%swap3A_124, %swap3A_125], %select_n3A_123 {strides = array<i32>} : memref<1x1024xf32, #tpu.memory_space<vmem>>, vector<1x1024xf32>,
    %get3A_127 = arith.constant 0 : index
    %get3A_128 = arith.constant 0 : index
    %get3A_129 = vector.load %arg10[%get3A_127, %get3A_128] : memref<1x1024xf32, #tpu.memory_space<vmem>>, vector<1x1024xf32>
    %get3A_130 = arith.constant 0 : index
    %get3A_131 = arith.constant 0 : index
    %get3A_132 = vector.load %arg11[%get3A_130, %get3A_131] : memref<1x1024xf32, #tpu.memory_space<vmem>>, vector<1x1024xf32>
    %select_n3A_133 = arith.select %gt3A_63, %add3A_51, %get3A_132 : vector<1x1024xi1>, vector<1x1024xf32>
    %select_n3A_134 = arith.select %gt3A, %get3A_129, %select_n3A_133 : vector<1x1024xi1>, vector<1x1024xf32>
    %swap3A_135 = arith.constant 0 : index
    %swap3A_136 = arith.constant 0 : index
    %swap3A_137 = vector.load %arg11[%swap3A_135, %swap3A_136] : memref<1x1024xf32, #tpu.memory_space<vmem>>, vector<1x1024xf32>
    tpu.vector_store %arg11[%swap3A_135, %swap3A_136], %select_n3A_134 {strides = array<i32>} : memref<1x1024xf32, #tpu.memory_space<vmem>>, vector<1x1024xf32>,
    %get3A_138 = arith.constant 0 : index
    %get3A_139 = arith.constant 0 : index
    %get3A_140 = vector.load %arg6[%get3A_138, %get3A_139] : memref<1x1024xf32, #tpu.memory_space<vmem>>, vector<1x1024xf32>
    %select_n3A_141 = arith.select %gt3A, %broadcast_in_dim3A_41, %get3A_140 : vector<1x1024xi1>, vector<1x1024xf32>
    %swap3A_142 = arith.constant 0 : index
    %swap3A_143 = arith.constant 0 : index
    %swap3A_144 = vector.load %arg6[%swap3A_142, %swap3A_143] : memref<1x1024xf32, #tpu.memory_space<vmem>>, vector<1x1024xf32>
    tpu.vector_store %arg6[%swap3A_142, %swap3A_143], %select_n3A_141 {strides = array<i32>} : memref<1x1024xf32, #tpu.memory_space<vmem>>, vector<1x1024xf32>,
    %get3A_145 = arith.constant 0 : index
    %get3A_146 = arith.constant 0 : index
    %get3A_147 = vector.load %arg10[%get3A_145, %get3A_146] : memref<1x1024xf32, #tpu.memory_space<vmem>>, vector<1x1024xf32>
    %select_n3A_148 = arith.select %gt3A, %add3A_51, %get3A_147 : vector<1x1024xi1>, vector<1x1024xf32>
    %swap3A_149 = arith.constant 0 : index
    %swap3A_150 = arith.constant 0 : index
    %swap3A_151 = vector.load %arg10[%swap3A_149, %swap3A_150] : memref<1x1024xf32, #tpu.memory_space<vmem>>, vector<1x1024xf32>
    tpu.vector_store %arg10[%swap3A_149, %swap3A_150], %select_n3A_148 {strides = array<i32>} : memref<1x1024xf32, #tpu.memory_space<vmem>>, vector<1x1024xf32>,
    %reduce_max3A_152 = arith.constant dense<0xFF800000> : vector<1024xf32>
    %reduce_max3A_153 = vector.multi_reduction <maximumf>, %select_n3A_56, %reduce_max3A_152 [0] : vector<2000x1024xf32> to vector<1024xf32>
    %broadcast_in_dim3A_154 = vector.shape_cast %reduce_max3A_153 : vector<1024xf32> to vector<1x1024xf32>
    %eq3A_155 = vector.broadcast %broadcast_in_dim3A_154 : vector<1x1024xf32> to vector<2000x1024xf32>
    %eq3A_156 = arith.cmpf oeq, %select_n3A_56, %eq3A_155 : vector<2000x1024xf32>
    %jit3A_157 = arith.constant 2.000000e+03 : f32
    %broadcast_in_dim3A_158 = vector.broadcast %jit3A_157 : f32 to vector<2000x1024xf32>
    %select_n3A_159 = arith.select %eq3A_156, %convert_element_type3A_28, %broadcast_in_dim3A_158 : vector<2000x1024xi1>, vector<2000x1024xf32>
    %reduce_min3A_160 = arith.constant dense<0x7F800000> : vector<1024xf32>
    %reduce_min3A_161 = vector.multi_reduction <minimumf>, %select_n3A_159, %reduce_min3A_160 [0] : vector<2000x1024xf32> to vector<1024xf32>
    %broadcast_in_dim3A_162 = vector.shape_cast %reduce_min3A_161 : vector<1024xf32> to vector<1x1024xf32>
    %mul3A_163 = arith.constant 2000 : i32
    %mul3A_164 = arith.muli %arg1, %mul3A_163 : i32
    %convert_element_type3A_165 = arith.sitofp %mul3A_164 : i32 to f32
    %add3A_166 = vector.broadcast %convert_element_type3A_165 : f32 to vector<1x1024xf32>
    %add3A_167 = arith.addf %broadcast_in_dim3A_162, %add3A_166 : vector<1x1024xf32>
    %eq3A_168 = vector.broadcast %broadcast_in_dim3A_162 : vector<1x1024xf32> to vector<2000x1024xf32>
    %eq3A_169 = arith.cmpf oeq, %convert_element_type3A_28, %eq3A_168 : vector<2000x1024xf32>
    %jit3A_170 = arith.constant -3.000000e+38 : f32
    %broadcast_in_dim3A_171 = vector.broadcast %jit3A_170 : f32 to vector<2000x1024xf32>
    %select_n3A_172 = arith.select %eq3A_169, %broadcast_in_dim3A_171, %select_n3A_56 : vector<2000x1024xi1>, vector<2000x1024xf32>
    %get3A_173 = arith.constant 0 : index
    %get3A_174 = arith.constant 0 : index
    %get3A_175 = vector.load %arg6[%get3A_173, %get3A_174] : memref<1x1024xf32, #tpu.memory_space<vmem>>, vector<1x1024xf32>
    %gt3A_176 = arith.cmpf ogt, %broadcast_in_dim3A_154, %get3A_175 : vector<1x1024xf32>
    %get3A_177 = arith.constant 0 : index
    %get3A_178 = arith.constant 0 : index
    %get3A_179 = vector.load %arg7[%get3A_177, %get3A_178] : memref<1x1024xf32, #tpu.memory_space<vmem>>, vector<1x1024xf32>
    %gt3A_180 = arith.cmpf ogt, %broadcast_in_dim3A_154, %get3A_179 : vector<1x1024xf32>
    %get3A_181 = arith.constant 0 : index
    %get3A_182 = arith.constant 0 : index
    %get3A_183 = vector.load %arg8[%get3A_181, %get3A_182] : memref<1x1024xf32, #tpu.memory_space<vmem>>, vector<1x1024xf32>
    %gt3A_184 = arith.cmpf ogt, %broadcast_in_dim3A_154, %get3A_183 : vector<1x1024xf32>
    %get3A_185 = arith.constant 0 : index
    %get3A_186 = arith.constant 0 : index
    %get3A_187 = vector.load %arg9[%get3A_185, %get3A_186] : memref<1x1024xf32, #tpu.memory_space<vmem>>, vector<1x1024xf32>
    %gt3A_188 = arith.cmpf ogt, %broadcast_in_dim3A_154, %get3A_187 : vector<1x1024xf32>
    %get3A_189 = arith.constant 0 : index
    %get3A_190 = arith.constant 0 : index
    %get3A_191 = vector.load %arg8[%get3A_189, %get3A_190] : memref<1x1024xf32, #tpu.memory_space<vmem>>, vector<1x1024xf32>
    %get3A_192 = arith.constant 0 : index
    %get3A_193 = arith.constant 0 : index
    %get3A_194 = vector.load %arg9[%get3A_192, %get3A_193] : memref<1x1024xf32, #tpu.memory_space<vmem>>, vector<1x1024xf32>
    %select_n3A_195 = arith.select %gt3A_188, %broadcast_in_dim3A_154, %get3A_194 : vector<1x1024xi1>, vector<1x1024xf32>
    %select_n3A_196 = arith.select %gt3A_184, %get3A_191, %select_n3A_195 : vector<1x1024xi1>, vector<1x1024xf32>
    %swap3A_197 = arith.constant 0 : index
    %swap3A_198 = arith.constant 0 : index
    %swap3A_199 = vector.load %arg9[%swap3A_197, %swap3A_198] : memref<1x1024xf32, #tpu.memory_space<vmem>>, vector<1x1024xf32>
    tpu.vector_store %arg9[%swap3A_197, %swap3A_198], %select_n3A_196 {strides = array<i32>} : memref<1x1024xf32, #tpu.memory_space<vmem>>, vector<1x1024xf32>,
    %get3A_200 = arith.constant 0 : index
    %get3A_201 = arith.constant 0 : index
    %get3A_202 = vector.load %arg12[%get3A_200, %get3A_201] : memref<1x1024xf32, #tpu.memory_space<vmem>>, vector<1x1024xf32>
    %get3A_203 = arith.constant 0 : index
    %get3A_204 = arith.constant 0 : index
    %get3A_205 = vector.load %arg13[%get3A_203, %get3A_204] : memref<1x1024xf32, #tpu.memory_space<vmem>>, vector<1x1024xf32>
    %select_n3A_206 = arith.select %gt3A_188, %add3A_167, %get3A_205 : vector<1x1024xi1>, vector<1x1024xf32>
    %select_n3A_207 = arith.select %gt3A_184, %get3A_202, %select_n3A_206 : vector<1x1024xi1>, vector<1x1024xf32>
    %swap3A_208 = arith.constant 0 : index
    %swap3A_209 = arith.constant 0 : index
    %swap3A_210 = vector.load %arg13[%swap3A_208, %swap3A_209] : memref<1x1024xf32, #tpu.memory_space<vmem>>, vector<1x1024xf32>
    tpu.vector_store %arg13[%swap3A_208, %swap3A_209], %select_n3A_207 {strides = array<i32>} : memref<1x1024xf32, #tpu.memory_space<vmem>>, vector<1x1024xf32>,
    %get3A_211 = arith.constant 0 : index
    %get3A_212 = arith.constant 0 : index
    %get3A_213 = vector.load %arg7[%get3A_211, %get3A_212] : memref<1x1024xf32, #tpu.memory_space<vmem>>, vector<1x1024xf32>
    %get3A_214 = arith.constant 0 : index
    %get3A_215 = arith.constant 0 : index
    %get3A_216 = vector.load %arg8[%get3A_214, %get3A_215] : memref<1x1024xf32, #tpu.memory_space<vmem>>, vector<1x1024xf32>
    %select_n3A_217 = arith.select %gt3A_184, %broadcast_in_dim3A_154, %get3A_216 : vector<1x1024xi1>, vector<1x1024xf32>
    %select_n3A_218 = arith.select %gt3A_180, %get3A_213, %select_n3A_217 : vector<1x1024xi1>, vector<1x1024xf32>
    %swap3A_219 = arith.constant 0 : index
    %swap3A_220 = arith.constant 0 : index
    %swap3A_221 = vector.load %arg8[%swap3A_219, %swap3A_220] : memref<1x1024xf32, #tpu.memory_space<vmem>>, vector<1x1024xf32>
    tpu.vector_store %arg8[%swap3A_219, %swap3A_220], %select_n3A_218 {strides = array<i32>} : memref<1x1024xf32, #tpu.memory_space<vmem>>, vector<1x1024xf32>,
    %get3A_222 = arith.constant 0 : index
    %get3A_223 = arith.constant 0 : index
    %get3A_224 = vector.load %arg11[%get3A_222, %get3A_223] : memref<1x1024xf32, #tpu.memory_space<vmem>>, vector<1x1024xf32>
    %get3A_225 = arith.constant 0 : index
    %get3A_226 = arith.constant 0 : index
    %get3A_227 = vector.load %arg12[%get3A_225, %get3A_226] : memref<1x1024xf32, #tpu.memory_space<vmem>>, vector<1x1024xf32>
    %select_n3A_228 = arith.select %gt3A_184, %add3A_167, %get3A_227 : vector<1x1024xi1>, vector<1x1024xf32>
    %select_n3A_229 = arith.select %gt3A_180, %get3A_224, %select_n3A_228 : vector<1x1024xi1>, vector<1x1024xf32>
    %swap3A_230 = arith.constant 0 : index
    %swap3A_231 = arith.constant 0 : index
    %swap3A_232 = vector.load %arg12[%swap3A_230, %swap3A_231] : memref<1x1024xf32, #tpu.memory_space<vmem>>, vector<1x1024xf32>
    tpu.vector_store %arg12[%swap3A_230, %swap3A_231], %select_n3A_229 {strides = array<i32>} : memref<1x1024xf32, #tpu.memory_space<vmem>>, vector<1x1024xf32>,
    %get3A_233 = arith.constant 0 : index
    %get3A_234 = arith.constant 0 : index
    %get3A_235 = vector.load %arg6[%get3A_233, %get3A_234] : memref<1x1024xf32, #tpu.memory_space<vmem>>, vector<1x1024xf32>
    %get3A_236 = arith.constant 0 : index
    %get3A_237 = arith.constant 0 : index
    %get3A_238 = vector.load %arg7[%get3A_236, %get3A_237] : memref<1x1024xf32, #tpu.memory_space<vmem>>, vector<1x1024xf32>
    %select_n3A_239 = arith.select %gt3A_180, %broadcast_in_dim3A_154, %get3A_238 : vector<1x1024xi1>, vector<1x1024xf32>
    %select_n3A_240 = arith.select %gt3A_176, %get3A_235, %select_n3A_239 : vector<1x1024xi1>, vector<1x1024xf32>
    %swap3A_241 = arith.constant 0 : index
    %swap3A_242 = arith.constant 0 : index
    %swap3A_243 = vector.load %arg7[%swap3A_241, %swap3A_242] : memref<1x1024xf32, #tpu.memory_space<vmem>>, vector<1x1024xf32>
    tpu.vector_store %arg7[%swap3A_241, %swap3A_242], %select_n3A_240 {strides = array<i32>} : memref<1x1024xf32, #tpu.memory_space<vmem>>, vector<1x1024xf32>,
    %get3A_244 = arith.constant 0 : index
    %get3A_245 = arith.constant 0 : index
    %get3A_246 = vector.load %arg10[%get3A_244, %get3A_245] : memref<1x1024xf32, #tpu.memory_space<vmem>>, vector<1x1024xf32>
    %get3A_247 = arith.constant 0 : index
    %get3A_248 = arith.constant 0 : index
    %get3A_249 = vector.load %arg11[%get3A_247, %get3A_248] : memref<1x1024xf32, #tpu.memory_space<vmem>>, vector<1x1024xf32>
    %select_n3A_250 = arith.select %gt3A_180, %add3A_167, %get3A_249 : vector<1x1024xi1>, vector<1x1024xf32>
    %select_n3A_251 = arith.select %gt3A_176, %get3A_246, %select_n3A_250 : vector<1x1024xi1>, vector<1x1024xf32>
    %swap3A_252 = arith.constant 0 : index
    %swap3A_253 = arith.constant 0 : index
    %swap3A_254 = vector.load %arg11[%swap3A_252, %swap3A_253] : memref<1x1024xf32, #tpu.memory_space<vmem>>, vector<1x1024xf32>
    tpu.vector_store %arg11[%swap3A_252, %swap3A_253], %select_n3A_251 {strides = array<i32>} : memref<1x1024xf32, #tpu.memory_space<vmem>>, vector<1x1024xf32>,
    %get3A_255 = arith.constant 0 : index
    %get3A_256 = arith.constant 0 : index
    %get3A_257 = vector.load %arg6[%get3A_255, %get3A_256] : memref<1x1024xf32, #tpu.memory_space<vmem>>, vector<1x1024xf32>
    %select_n3A_258 = arith.select %gt3A_176, %broadcast_in_dim3A_154, %get3A_257 : vector<1x1024xi1>, vector<1x1024xf32>
    %swap3A_259 = arith.constant 0 : index
    %swap3A_260 = arith.constant 0 : index
    %swap3A_261 = vector.load %arg6[%swap3A_259, %swap3A_260] : memref<1x1024xf32, #tpu.memory_space<vmem>>, vector<1x1024xf32>
    tpu.vector_store %arg6[%swap3A_259, %swap3A_260], %select_n3A_258 {strides = array<i32>} : memref<1x1024xf32, #tpu.memory_space<vmem>>, vector<1x1024xf32>,
    %get3A_262 = arith.constant 0 : index
    %get3A_263 = arith.constant 0 : index
    %get3A_264 = vector.load %arg10[%get3A_262, %get3A_263] : memref<1x1024xf32, #tpu.memory_space<vmem>>, vector<1x1024xf32>
    %select_n3A_265 = arith.select %gt3A_176, %add3A_167, %get3A_264 : vector<1x1024xi1>, vector<1x1024xf32>
    %swap3A_266 = arith.constant 0 : index
    %swap3A_267 = arith.constant 0 : index
    %swap3A_268 = vector.load %arg10[%swap3A_266, %swap3A_267] : memref<1x1024xf32, #tpu.memory_space<vmem>>, vector<1x1024xf32>
    tpu.vector_store %arg10[%swap3A_266, %swap3A_267], %select_n3A_265 {strides = array<i32>} : memref<1x1024xf32, #tpu.memory_space<vmem>>, vector<1x1024xf32>,
    %reduce_max3A_269 = arith.constant dense<0xFF800000> : vector<1024xf32>
    %reduce_max3A_270 = vector.multi_reduction <maximumf>, %select_n3A_172, %reduce_max3A_269 [0] : vector<2000x1024xf32> to vector<1024xf32>
    %broadcast_in_dim3A_271 = vector.shape_cast %reduce_max3A_270 : vector<1024xf32> to vector<1x1024xf32>
    %eq3A_272 = vector.broadcast %broadcast_in_dim3A_271 : vector<1x1024xf32> to vector<2000x1024xf32>
    %eq3A_273 = arith.cmpf oeq, %select_n3A_172, %eq3A_272 : vector<2000x1024xf32>
    %jit3A_274 = arith.constant 2.000000e+03 : f32
    %broadcast_in_dim3A_275 = vector.broadcast %jit3A_274 : f32 to vector<2000x1024xf32>
    %select_n3A_276 = arith.select %eq3A_273, %convert_element_type3A_28, %broadcast_in_dim3A_275 : vector<2000x1024xi1>, vector<2000x1024xf32>
    %reduce_min3A_277 = arith.constant dense<0x7F800000> : vector<1024xf32>
    %reduce_min3A_278 = vector.multi_reduction <minimumf>, %select_n3A_276, %reduce_min3A_277 [0] : vector<2000x1024xf32> to vector<1024xf32>
    %broadcast_in_dim3A_279 = vector.shape_cast %reduce_min3A_278 : vector<1024xf32> to vector<1x1024xf32>
    %mul3A_280 = arith.constant 2000 : i32
    %mul3A_281 = arith.muli %arg1, %mul3A_280 : i32
    %convert_element_type3A_282 = arith.sitofp %mul3A_281 : i32 to f32
    %add3A_283 = vector.broadcast %convert_element_type3A_282 : f32 to vector<1x1024xf32>
    %add3A_284 = arith.addf %broadcast_in_dim3A_279, %add3A_283 : vector<1x1024xf32>
    %eq3A_285 = vector.broadcast %broadcast_in_dim3A_279 : vector<1x1024xf32> to vector<2000x1024xf32>
    %eq3A_286 = arith.cmpf oeq, %convert_element_type3A_28, %eq3A_285 : vector<2000x1024xf32>
    %jit3A_287 = arith.constant -3.000000e+38 : f32
    %broadcast_in_dim3A_288 = vector.broadcast %jit3A_287 : f32 to vector<2000x1024xf32>
    %select_n3A_289 = arith.select %eq3A_286, %broadcast_in_dim3A_288, %select_n3A_172 : vector<2000x1024xi1>, vector<2000x1024xf32>
    %get3A_290 = arith.constant 0 : index
    %get3A_291 = arith.constant 0 : index
    %get3A_292 = vector.load %arg6[%get3A_290, %get3A_291] : memref<1x1024xf32, #tpu.memory_space<vmem>>, vector<1x1024xf32>
    %gt3A_293 = arith.cmpf ogt, %broadcast_in_dim3A_271, %get3A_292 : vector<1x1024xf32>
    %get3A_294 = arith.constant 0 : index
    %get3A_295 = arith.constant 0 : index
    %get3A_296 = vector.load %arg7[%get3A_294, %get3A_295] : memref<1x1024xf32, #tpu.memory_space<vmem>>, vector<1x1024xf32>
    %gt3A_297 = arith.cmpf ogt, %broadcast_in_dim3A_271, %get3A_296 : vector<1x1024xf32>
    %get3A_298 = arith.constant 0 : index
    %get3A_299 = arith.constant 0 : index
    %get3A_300 = vector.load %arg8[%get3A_298, %get3A_299] : memref<1x1024xf32, #tpu.memory_space<vmem>>, vector<1x1024xf32>
    %gt3A_301 = arith.cmpf ogt, %broadcast_in_dim3A_271, %get3A_300 : vector<1x1024xf32>
    %get3A_302 = arith.constant 0 : index
    %get3A_303 = arith.constant 0 : index
    %get3A_304 = vector.load %arg9[%get3A_302, %get3A_303] : memref<1x1024xf32, #tpu.memory_space<vmem>>, vector<1x1024xf32>
    %gt3A_305 = arith.cmpf ogt, %broadcast_in_dim3A_271, %get3A_304 : vector<1x1024xf32>
    %get3A_306 = arith.constant 0 : index
    %get3A_307 = arith.constant 0 : index
    %get3A_308 = vector.load %arg8[%get3A_306, %get3A_307] : memref<1x1024xf32, #tpu.memory_space<vmem>>, vector<1x1024xf32>
    %get3A_309 = arith.constant 0 : index
    %get3A_310 = arith.constant 0 : index
    %get3A_311 = vector.load %arg9[%get3A_309, %get3A_310] : memref<1x1024xf32, #tpu.memory_space<vmem>>, vector<1x1024xf32>
    %select_n3A_312 = arith.select %gt3A_305, %broadcast_in_dim3A_271, %get3A_311 : vector<1x1024xi1>, vector<1x1024xf32>
    %select_n3A_313 = arith.select %gt3A_301, %get3A_308, %select_n3A_312 : vector<1x1024xi1>, vector<1x1024xf32>
    %swap3A_314 = arith.constant 0 : index
    %swap3A_315 = arith.constant 0 : index
    %swap3A_316 = vector.load %arg9[%swap3A_314, %swap3A_315] : memref<1x1024xf32, #tpu.memory_space<vmem>>, vector<1x1024xf32>
    tpu.vector_store %arg9[%swap3A_314, %swap3A_315], %select_n3A_313 {strides = array<i32>} : memref<1x1024xf32, #tpu.memory_space<vmem>>, vector<1x1024xf32>,
    %get3A_317 = arith.constant 0 : index
    %get3A_318 = arith.constant 0 : index
    %get3A_319 = vector.load %arg12[%get3A_317, %get3A_318] : memref<1x1024xf32, #tpu.memory_space<vmem>>, vector<1x1024xf32>
    %get3A_320 = arith.constant 0 : index
    %get3A_321 = arith.constant 0 : index
    %get3A_322 = vector.load %arg13[%get3A_320, %get3A_321] : memref<1x1024xf32, #tpu.memory_space<vmem>>, vector<1x1024xf32>
    %select_n3A_323 = arith.select %gt3A_305, %add3A_284, %get3A_322 : vector<1x1024xi1>, vector<1x1024xf32>
    %select_n3A_324 = arith.select %gt3A_301, %get3A_319, %select_n3A_323 : vector<1x1024xi1>, vector<1x1024xf32>
    %swap3A_325 = arith.constant 0 : index
    %swap3A_326 = arith.constant 0 : index
    %swap3A_327 = vector.load %arg13[%swap3A_325, %swap3A_326] : memref<1x1024xf32, #tpu.memory_space<vmem>>, vector<1x1024xf32>
    tpu.vector_store %arg13[%swap3A_325, %swap3A_326], %select_n3A_324 {strides = array<i32>} : memref<1x1024xf32, #tpu.memory_space<vmem>>, vector<1x1024xf32>,
    %get3A_328 = arith.constant 0 : index
    %get3A_329 = arith.constant 0 : index
    %get3A_330 = vector.load %arg7[%get3A_328, %get3A_329] : memref<1x1024xf32, #tpu.memory_space<vmem>>, vector<1x1024xf32>
    %get3A_331 = arith.constant 0 : index
    %get3A_332 = arith.constant 0 : index
    %get3A_333 = vector.load %arg8[%get3A_331, %get3A_332] : memref<1x1024xf32, #tpu.memory_space<vmem>>, vector<1x1024xf32>
    %select_n3A_334 = arith.select %gt3A_301, %broadcast_in_dim3A_271, %get3A_333 : vector<1x1024xi1>, vector<1x1024xf32>
    %select_n3A_335 = arith.select %gt3A_297, %get3A_330, %select_n3A_334 : vector<1x1024xi1>, vector<1x1024xf32>
    %swap3A_336 = arith.constant 0 : index
    %swap3A_337 = arith.constant 0 : index
    %swap3A_338 = vector.load %arg8[%swap3A_336, %swap3A_337] : memref<1x1024xf32, #tpu.memory_space<vmem>>, vector<1x1024xf32>
    tpu.vector_store %arg8[%swap3A_336, %swap3A_337], %select_n3A_335 {strides = array<i32>} : memref<1x1024xf32, #tpu.memory_space<vmem>>, vector<1x1024xf32>,
    %get3A_339 = arith.constant 0 : index
    %get3A_340 = arith.constant 0 : index
    %get3A_341 = vector.load %arg11[%get3A_339, %get3A_340] : memref<1x1024xf32, #tpu.memory_space<vmem>>, vector<1x1024xf32>
    %get3A_342 = arith.constant 0 : index
    %get3A_343 = arith.constant 0 : index
    %get3A_344 = vector.load %arg12[%get3A_342, %get3A_343] : memref<1x1024xf32, #tpu.memory_space<vmem>>, vector<1x1024xf32>
    %select_n3A_345 = arith.select %gt3A_301, %add3A_284, %get3A_344 : vector<1x1024xi1>, vector<1x1024xf32>
    %select_n3A_346 = arith.select %gt3A_297, %get3A_341, %select_n3A_345 : vector<1x1024xi1>, vector<1x1024xf32>
    %swap3A_347 = arith.constant 0 : index
    %swap3A_348 = arith.constant 0 : index
    %swap3A_349 = vector.load %arg12[%swap3A_347, %swap3A_348] : memref<1x1024xf32, #tpu.memory_space<vmem>>, vector<1x1024xf32>
    tpu.vector_store %arg12[%swap3A_347, %swap3A_348], %select_n3A_346 {strides = array<i32>} : memref<1x1024xf32, #tpu.memory_space<vmem>>, vector<1x1024xf32>,
    %get3A_350 = arith.constant 0 : index
    %get3A_351 = arith.constant 0 : index
    %get3A_352 = vector.load %arg6[%get3A_350, %get3A_351] : memref<1x1024xf32, #tpu.memory_space<vmem>>, vector<1x1024xf32>
    %get3A_353 = arith.constant 0 : index
    %get3A_354 = arith.constant 0 : index
    %get3A_355 = vector.load %arg7[%get3A_353, %get3A_354] : memref<1x1024xf32, #tpu.memory_space<vmem>>, vector<1x1024xf32>
    %select_n3A_356 = arith.select %gt3A_297, %broadcast_in_dim3A_271, %get3A_355 : vector<1x1024xi1>, vector<1x1024xf32>
    %select_n3A_357 = arith.select %gt3A_293, %get3A_352, %select_n3A_356 : vector<1x1024xi1>, vector<1x1024xf32>
    %swap3A_358 = arith.constant 0 : index
    %swap3A_359 = arith.constant 0 : index
    %swap3A_360 = vector.load %arg7[%swap3A_358, %swap3A_359] : memref<1x1024xf32, #tpu.memory_space<vmem>>, vector<1x1024xf32>
    tpu.vector_store %arg7[%swap3A_358, %swap3A_359], %select_n3A_357 {strides = array<i32>} : memref<1x1024xf32, #tpu.memory_space<vmem>>, vector<1x1024xf32>,
    %get3A_361 = arith.constant 0 : index
    %get3A_362 = arith.constant 0 : index
    %get3A_363 = vector.load %arg10[%get3A_361, %get3A_362] : memref<1x1024xf32, #tpu.memory_space<vmem>>, vector<1x1024xf32>
    %get3A_364 = arith.constant 0 : index
    %get3A_365 = arith.constant 0 : index
    %get3A_366 = vector.load %arg11[%get3A_364, %get3A_365] : memref<1x1024xf32, #tpu.memory_space<vmem>>, vector<1x1024xf32>
    %select_n3A_367 = arith.select %gt3A_297, %add3A_284, %get3A_366 : vector<1x1024xi1>, vector<1x1024xf32>
    %select_n3A_368 = arith.select %gt3A_293, %get3A_363, %select_n3A_367 : vector<1x1024xi1>, vector<1x1024xf32>
    %swap3A_369 = arith.constant 0 : index
    %swap3A_370 = arith.constant 0 : index
    %swap3A_371 = vector.load %arg11[%swap3A_369, %swap3A_370] : memref<1x1024xf32, #tpu.memory_space<vmem>>, vector<1x1024xf32>
    tpu.vector_store %arg11[%swap3A_369, %swap3A_370], %select_n3A_368 {strides = array<i32>} : memref<1x1024xf32, #tpu.memory_space<vmem>>, vector<1x1024xf32>,
    %get3A_372 = arith.constant 0 : index
    %get3A_373 = arith.constant 0 : index
    %get3A_374 = vector.load %arg6[%get3A_372, %get3A_373] : memref<1x1024xf32, #tpu.memory_space<vmem>>, vector<1x1024xf32>
    %select_n3A_375 = arith.select %gt3A_293, %broadcast_in_dim3A_271, %get3A_374 : vector<1x1024xi1>, vector<1x1024xf32>
    %swap3A_376 = arith.constant 0 : index
    %swap3A_377 = arith.constant 0 : index
    %swap3A_378 = vector.load %arg6[%swap3A_376, %swap3A_377] : memref<1x1024xf32, #tpu.memory_space<vmem>>, vector<1x1024xf32>
    tpu.vector_store %arg6[%swap3A_376, %swap3A_377], %select_n3A_375 {strides = array<i32>} : memref<1x1024xf32, #tpu.memory_space<vmem>>, vector<1x1024xf32>,
    %get3A_379 = arith.constant 0 : index
    %get3A_380 = arith.constant 0 : index
    %get3A_381 = vector.load %arg10[%get3A_379, %get3A_380] : memref<1x1024xf32, #tpu.memory_space<vmem>>, vector<1x1024xf32>
    %select_n3A_382 = arith.select %gt3A_293, %add3A_284, %get3A_381 : vector<1x1024xi1>, vector<1x1024xf32>
    %swap3A_383 = arith.constant 0 : index
    %swap3A_384 = arith.constant 0 : index
    %swap3A_385 = vector.load %arg10[%swap3A_383, %swap3A_384] : memref<1x1024xf32, #tpu.memory_space<vmem>>, vector<1x1024xf32>
    tpu.vector_store %arg10[%swap3A_383, %swap3A_384], %select_n3A_382 {strides = array<i32>} : memref<1x1024xf32, #tpu.memory_space<vmem>>, vector<1x1024xf32>,
    %reduce_max3A_386 = arith.constant dense<0xFF800000> : vector<1024xf32>
    %reduce_max3A_387 = vector.multi_reduction <maximumf>, %select_n3A_289, %reduce_max3A_386 [0] : vector<2000x1024xf32> to vector<1024xf32>
    %broadcast_in_dim3A_388 = vector.shape_cast %reduce_max3A_387 : vector<1024xf32> to vector<1x1024xf32>
    %eq3A_389 = vector.broadcast %broadcast_in_dim3A_388 : vector<1x1024xf32> to vector<2000x1024xf32>
    %eq3A_390 = arith.cmpf oeq, %select_n3A_289, %eq3A_389 : vector<2000x1024xf32>
    %jit3A_391 = arith.constant 2.000000e+03 : f32
    %broadcast_in_dim3A_392 = vector.broadcast %jit3A_391 : f32 to vector<2000x1024xf32>
    %select_n3A_393 = arith.select %eq3A_390, %convert_element_type3A_28, %broadcast_in_dim3A_392 : vector<2000x1024xi1>, vector<2000x1024xf32>
    %reduce_min3A_394 = arith.constant dense<0x7F800000> : vector<1024xf32>
    %reduce_min3A_395 = vector.multi_reduction <minimumf>, %select_n3A_393, %reduce_min3A_394 [0] : vector<2000x1024xf32> to vector<1024xf32>
    %broadcast_in_dim3A_396 = vector.shape_cast %reduce_min3A_395 : vector<1024xf32> to vector<1x1024xf32>
    %mul3A_397 = arith.constant 2000 : i32
    %mul3A_398 = arith.muli %arg1, %mul3A_397 : i32
    %convert_element_type3A_399 = arith.sitofp %mul3A_398 : i32 to f32
    %add3A_400 = vector.broadcast %convert_element_type3A_399 : f32 to vector<1x1024xf32>
    %add3A_401 = arith.addf %broadcast_in_dim3A_396, %add3A_400 : vector<1x1024xf32>
    %get3A_402 = arith.constant 0 : index
    %get3A_403 = arith.constant 0 : index
    %get3A_404 = vector.load %arg6[%get3A_402, %get3A_403] : memref<1x1024xf32, #tpu.memory_space<vmem>>, vector<1x1024xf32>
    %gt3A_405 = arith.cmpf ogt, %broadcast_in_dim3A_388, %get3A_404 : vector<1x1024xf32>
    %get3A_406 = arith.constant 0 : index
    %get3A_407 = arith.constant 0 : index
    %get3A_408 = vector.load %arg7[%get3A_406, %get3A_407] : memref<1x1024xf32, #tpu.memory_space<vmem>>, vector<1x1024xf32>
    %gt3A_409 = arith.cmpf ogt, %broadcast_in_dim3A_388, %get3A_408 : vector<1x1024xf32>
    %get3A_410 = arith.constant 0 : index
    %get3A_411 = arith.constant 0 : index
    %get3A_412 = vector.load %arg8[%get3A_410, %get3A_411] : memref<1x1024xf32, #tpu.memory_space<vmem>>, vector<1x1024xf32>
    %gt3A_413 = arith.cmpf ogt, %broadcast_in_dim3A_388, %get3A_412 : vector<1x1024xf32>
    %get3A_414 = arith.constant 0 : index
    %get3A_415 = arith.constant 0 : index
    %get3A_416 = vector.load %arg9[%get3A_414, %get3A_415] : memref<1x1024xf32, #tpu.memory_space<vmem>>, vector<1x1024xf32>
    %gt3A_417 = arith.cmpf ogt, %broadcast_in_dim3A_388, %get3A_416 : vector<1x1024xf32>
    %get3A_418 = arith.constant 0 : index
    %get3A_419 = arith.constant 0 : index
    %get3A_420 = vector.load %arg8[%get3A_418, %get3A_419] : memref<1x1024xf32, #tpu.memory_space<vmem>>, vector<1x1024xf32>
    %get3A_421 = arith.constant 0 : index
    %get3A_422 = arith.constant 0 : index
    %get3A_423 = vector.load %arg9[%get3A_421, %get3A_422] : memref<1x1024xf32, #tpu.memory_space<vmem>>, vector<1x1024xf32>
    %select_n3A_424 = arith.select %gt3A_417, %broadcast_in_dim3A_388, %get3A_423 : vector<1x1024xi1>, vector<1x1024xf32>
    %select_n3A_425 = arith.select %gt3A_413, %get3A_420, %select_n3A_424 : vector<1x1024xi1>, vector<1x1024xf32>
    %swap3A_426 = arith.constant 0 : index
    %swap3A_427 = arith.constant 0 : index
    %swap3A_428 = vector.load %arg9[%swap3A_426, %swap3A_427] : memref<1x1024xf32, #tpu.memory_space<vmem>>, vector<1x1024xf32>
    tpu.vector_store %arg9[%swap3A_426, %swap3A_427], %select_n3A_425 {strides = array<i32>} : memref<1x1024xf32, #tpu.memory_space<vmem>>, vector<1x1024xf32>,
    %get3A_429 = arith.constant 0 : index
    %get3A_430 = arith.constant 0 : index
    %get3A_431 = vector.load %arg12[%get3A_429, %get3A_430] : memref<1x1024xf32, #tpu.memory_space<vmem>>, vector<1x1024xf32>
    %get3A_432 = arith.constant 0 : index
    %get3A_433 = arith.constant 0 : index
    %get3A_434 = vector.load %arg13[%get3A_432, %get3A_433] : memref<1x1024xf32, #tpu.memory_space<vmem>>, vector<1x1024xf32>
    %select_n3A_435 = arith.select %gt3A_417, %add3A_401, %get3A_434 : vector<1x1024xi1>, vector<1x1024xf32>
    %select_n3A_436 = arith.select %gt3A_413, %get3A_431, %select_n3A_435 : vector<1x1024xi1>, vector<1x1024xf32>
    %swap3A_437 = arith.constant 0 : index
    %swap3A_438 = arith.constant 0 : index
    %swap3A_439 = vector.load %arg13[%swap3A_437, %swap3A_438] : memref<1x1024xf32, #tpu.memory_space<vmem>>, vector<1x1024xf32>
    tpu.vector_store %arg13[%swap3A_437, %swap3A_438], %select_n3A_436 {strides = array<i32>} : memref<1x1024xf32, #tpu.memory_space<vmem>>, vector<1x1024xf32>,
    %get3A_440 = arith.constant 0 : index
    %get3A_441 = arith.constant 0 : index
    %get3A_442 = vector.load %arg7[%get3A_440, %get3A_441] : memref<1x1024xf32, #tpu.memory_space<vmem>>, vector<1x1024xf32>
    %get3A_443 = arith.constant 0 : index
    %get3A_444 = arith.constant 0 : index
    %get3A_445 = vector.load %arg8[%get3A_443, %get3A_444] : memref<1x1024xf32, #tpu.memory_space<vmem>>, vector<1x1024xf32>
    %select_n3A_446 = arith.select %gt3A_413, %broadcast_in_dim3A_388, %get3A_445 : vector<1x1024xi1>, vector<1x1024xf32>
    %select_n3A_447 = arith.select %gt3A_409, %get3A_442, %select_n3A_446 : vector<1x1024xi1>, vector<1x1024xf32>
    %swap3A_448 = arith.constant 0 : index
    %swap3A_449 = arith.constant 0 : index
    %swap3A_450 = vector.load %arg8[%swap3A_448, %swap3A_449] : memref<1x1024xf32, #tpu.memory_space<vmem>>, vector<1x1024xf32>
    tpu.vector_store %arg8[%swap3A_448, %swap3A_449], %select_n3A_447 {strides = array<i32>} : memref<1x1024xf32, #tpu.memory_space<vmem>>, vector<1x1024xf32>,
    %get3A_451 = arith.constant 0 : index
    %get3A_452 = arith.constant 0 : index
    %get3A_453 = vector.load %arg11[%get3A_451, %get3A_452] : memref<1x1024xf32, #tpu.memory_space<vmem>>, vector<1x1024xf32>
    %get3A_454 = arith.constant 0 : index
    %get3A_455 = arith.constant 0 : index
    %get3A_456 = vector.load %arg12[%get3A_454, %get3A_455] : memref<1x1024xf32, #tpu.memory_space<vmem>>, vector<1x1024xf32>
    %select_n3A_457 = arith.select %gt3A_413, %add3A_401, %get3A_456 : vector<1x1024xi1>, vector<1x1024xf32>
    %select_n3A_458 = arith.select %gt3A_409, %get3A_453, %select_n3A_457 : vector<1x1024xi1>, vector<1x1024xf32>
    %swap3A_459 = arith.constant 0 : index
    %swap3A_460 = arith.constant 0 : index
    %swap3A_461 = vector.load %arg12[%swap3A_459, %swap3A_460] : memref<1x1024xf32, #tpu.memory_space<vmem>>, vector<1x1024xf32>
    tpu.vector_store %arg12[%swap3A_459, %swap3A_460], %select_n3A_458 {strides = array<i32>} : memref<1x1024xf32, #tpu.memory_space<vmem>>, vector<1x1024xf32>,
    %get3A_462 = arith.constant 0 : index
    %get3A_463 = arith.constant 0 : index
    %get3A_464 = vector.load %arg6[%get3A_462, %get3A_463] : memref<1x1024xf32, #tpu.memory_space<vmem>>, vector<1x1024xf32>
    %get3A_465 = arith.constant 0 : index
    %get3A_466 = arith.constant 0 : index
    %get3A_467 = vector.load %arg7[%get3A_465, %get3A_466] : memref<1x1024xf32, #tpu.memory_space<vmem>>, vector<1x1024xf32>
    %select_n3A_468 = arith.select %gt3A_409, %broadcast_in_dim3A_388, %get3A_467 : vector<1x1024xi1>, vector<1x1024xf32>
    %select_n3A_469 = arith.select %gt3A_405, %get3A_464, %select_n3A_468 : vector<1x1024xi1>, vector<1x1024xf32>
    %swap3A_470 = arith.constant 0 : index
    %swap3A_471 = arith.constant 0 : index
    %swap3A_472 = vector.load %arg7[%swap3A_470, %swap3A_471] : memref<1x1024xf32, #tpu.memory_space<vmem>>, vector<1x1024xf32>
    tpu.vector_store %arg7[%swap3A_470, %swap3A_471], %select_n3A_469 {strides = array<i32>} : memref<1x1024xf32, #tpu.memory_space<vmem>>, vector<1x1024xf32>,
    %get3A_473 = arith.constant 0 : index
    %get3A_474 = arith.constant 0 : index
    %get3A_475 = vector.load %arg10[%get3A_473, %get3A_474] : memref<1x1024xf32, #tpu.memory_space<vmem>>, vector<1x1024xf32>
    %get3A_476 = arith.constant 0 : index
    %get3A_477 = arith.constant 0 : index
    %get3A_478 = vector.load %arg11[%get3A_476, %get3A_477] : memref<1x1024xf32, #tpu.memory_space<vmem>>, vector<1x1024xf32>
    %select_n3A_479 = arith.select %gt3A_409, %add3A_401, %get3A_478 : vector<1x1024xi1>, vector<1x1024xf32>
    %select_n3A_480 = arith.select %gt3A_405, %get3A_475, %select_n3A_479 : vector<1x1024xi1>, vector<1x1024xf32>
    %swap3A_481 = arith.constant 0 : index
    %swap3A_482 = arith.constant 0 : index
    %swap3A_483 = vector.load %arg11[%swap3A_481, %swap3A_482] : memref<1x1024xf32, #tpu.memory_space<vmem>>, vector<1x1024xf32>
    tpu.vector_store %arg11[%swap3A_481, %swap3A_482], %select_n3A_480 {strides = array<i32>} : memref<1x1024xf32, #tpu.memory_space<vmem>>, vector<1x1024xf32>,
    %get3A_484 = arith.constant 0 : index
    %get3A_485 = arith.constant 0 : index
    %get3A_486 = vector.load %arg6[%get3A_484, %get3A_485] : memref<1x1024xf32, #tpu.memory_space<vmem>>, vector<1x1024xf32>
    %select_n3A_487 = arith.select %gt3A_405, %broadcast_in_dim3A_388, %get3A_486 : vector<1x1024xi1>, vector<1x1024xf32>
    %swap3A_488 = arith.constant 0 : index
    %swap3A_489 = arith.constant 0 : index
    %swap3A_490 = vector.load %arg6[%swap3A_488, %swap3A_489] : memref<1x1024xf32, #tpu.memory_space<vmem>>, vector<1x1024xf32>
    tpu.vector_store %arg6[%swap3A_488, %swap3A_489], %select_n3A_487 {strides = array<i32>} : memref<1x1024xf32, #tpu.memory_space<vmem>>, vector<1x1024xf32>,
    %get3A_491 = arith.constant 0 : index
    %get3A_492 = arith.constant 0 : index
    %get3A_493 = vector.load %arg10[%get3A_491, %get3A_492] : memref<1x1024xf32, #tpu.memory_space<vmem>>, vector<1x1024xf32>
    %select_n3A_494 = arith.select %gt3A_405, %add3A_401, %get3A_493 : vector<1x1024xi1>, vector<1x1024xf32>
    %swap3A_495 = arith.constant 0 : index
    %swap3A_496 = arith.constant 0 : index
    %swap3A_497 = vector.load %arg10[%swap3A_495, %swap3A_496] : memref<1x1024xf32, #tpu.memory_space<vmem>>, vector<1x1024xf32>
    tpu.vector_store %arg10[%swap3A_495, %swap3A_496], %select_n3A_494 {strides = array<i32>} : memref<1x1024xf32, #tpu.memory_space<vmem>>, vector<1x1024xf32>,
    %eq3A_498 = arith.constant 49 : i32
    %eq3A_499 = arith.cmpi eq, %arg1, %eq3A_498 : i32
    %convert_element_type3A_500 = arith.extui %eq3A_499 : i1 to i32
    %cond3A_501 = arith.constant 0 : i32
    %cond3A_502 = arith.cmpi ne, %convert_element_type3A_500, %cond3A_501 : i32
    scf.if %cond3A_502 {
      %get3A_503 = arith.constant 0 : index
      %get3A_504 = arith.constant 0 : index
      %get3A_505 = vector.load %arg14[%get3A_503, %get3A_504] : memref<1x1024xf32, #tpu.memory_space<vmem>>, vector<1x1024xf32>
      %swap3A_506 = arith.constant 0 : index
      %swap3A_507 = arith.constant 0 : index
      %swap3A_508 = vector.load %arg5[%swap3A_506, %swap3A_507] : memref<1x1024xf32, #tpu.memory_space<vmem>>, vector<1x1024xf32>
      tpu.vector_store %arg5[%swap3A_506, %swap3A_507], %get3A_505 {strides = array<i32>} : memref<1x1024xf32, #tpu.memory_space<vmem>>, vector<1x1024xf32>,
      %get3A_509 = arith.constant 0 : index
      %get3A_510 = arith.constant 0 : index
      %get3A_511 = vector.load %arg10[%get3A_509, %get3A_510] : memref<1x1024xf32, #tpu.memory_space<vmem>>, vector<1x1024xf32>
      %get3A_512 = arith.constant 0 : index
      %get3A_513 = arith.constant 0 : index
      %get3A_514 = vector.load %arg11[%get3A_512, %get3A_513] : memref<1x1024xf32, #tpu.memory_space<vmem>>, vector<1x1024xf32>
      %get3A_515 = arith.constant 0 : index
      %get3A_516 = arith.constant 0 : index
      %get3A_517 = vector.load %arg12[%get3A_515, %get3A_516] : memref<1x1024xf32, #tpu.memory_space<vmem>>, vector<1x1024xf32>
      %get3A_518 = arith.constant 0 : index
      %get3A_519 = arith.constant 0 : index
      %get3A_520 = vector.load %arg13[%get3A_518, %get3A_519] : memref<1x1024xf32, #tpu.memory_space<vmem>>, vector<1x1024xf32>
      %concatenate3A = tpu.concatenate %get3A_511, %get3A_514, %get3A_517, %get3A_520 in 0 : vector<1x1024xf32>, vector<1x1024xf32>, vector<1x1024xf32>, vector<1x1024xf32> -> vector<4x1024xf32>
      %convert_element_type3A_521 = arith.fptosi %concatenate3A : vector<4x1024xf32> to vector<4x1024xi32>
      %swap3A_522 = arith.constant 0 : index
      %swap3A_523 = arith.constant 0 : index
      %swap3A_524 = vector.load %arg4[%swap3A_522, %swap3A_523] : memref<4x1024xi32, #tpu.memory_space<vmem>>, vector<4x1024xi32>
      tpu.vector_store %arg4[%swap3A_522, %swap3A_523], %convert_element_type3A_521 {strides = array<i32>} : memref<4x1024xi32, #tpu.memory_space<vmem>>, vector<4x1024xi32>,
    } else {
    }
    return
  }
  func.func @transform_0(%arg0: i32, %arg1: i32) -> (i32, i32) {
    %c0_i32 = arith.constant 0 : i32
    %c0_i32_0 = arith.constant 0 : i32
    return %c0_i32, %arg0 : i32, i32
  }
  func.func @transform_1(%arg0: i32, %arg1: i32) -> (i32, i32) {
    %c0_i32 = arith.constant 0 : i32
    %c0_i32_0 = arith.constant 0 : i32
    return %arg1, %c0_i32 : i32, i32
  }
  func.func @transform_2(%arg0: i32, %arg1: i32) -> (i32, i32) {
    %c0_i32 = arith.constant 0 : i32
    %c0_i32_0 = arith.constant 0 : i32
    return %c0_i32, %arg0 : i32, i32
  }
  func.func @transform_3(%arg0: i32, %arg1: i32) -> (i32, i32) {
    %c0_i32 = arith.constant 0 : i32
    %c0_i32_0 = arith.constant 0 : i32
    return %c0_i32, %arg0 : i32, i32
  }
}

</mosaic_0001>

<sc_bundles>
// kernel: gather_offload_async_start.1
scs
__scs_entry_jumppad:
0x0: {  	(pc) =	sbr.rel $0x88, $3  }
0x1: {  	(tag) =	ssettag $0x0;
	lr =	simm.s32 $0x1  }
0x2: {  	[smem:$0x3F9F] =	sst lr;
	_ =	strace $0xD0000000  }
0x3: {  	_ = 	snop  }
0x4: {  	_ = 	snop  }
0x5: {  	_ = 	snop  }
0x6: {  	_ = 	snop  }
0x7: {  	_ = 	snop  }
__scs_overlays_trampoline_lowered:
0x8: {  	[smem:$0x3FAE] =	sst s0  }
0x9: {  	[smem:$0x3FAF] =	sst s1  }
0xa: {  	[smem:$0x3FB0] =	sst s2  }
0xb: {  	[smem:$0x3FB1] =	sst s3  }
0xc: {  	[smem:$0x3FB2] =	sst s4  }
0xd: {  	[smem:$0x3FB3] =	sst s5  }
0xe: {  	[smem:$0x3FB4] =	sst s6  }
0xf: {  	[smem:$0x3FB5] =	sst s7  }
0x10: {  	[smem:$0x3FB6] =	sst s8  }
0x11: {  	[smem:$0x3FB7] =	sst s9;
	s0 =	simm.s32 @!p0 $0x0  }
0x12: {  	s1 =	sld [smem:$0x3F9D];
	s0 =	simm.s32 @p0 $0x1  }
0x13: {  	[smem:$0x3FB8] =	sst s0;
	s0 =	simm.s32 @!p1 $0x0  }
0x14: {  	s2 =	sld [smem:$0x3F9C];
	s0 =	simm.s32 @p1 $0x1  }
0x15: {  	[smem:$0x3FB9] =	sst s0;
	s0 =	simm.s32 @!p2 $0x0  }
0x16: {  	s3 =	sld [smem:$0x3FDB];
	s0 =	simm.s32 @p2 $0x1  }
0x17: {  	s4 =	simm.s32 $0x1BF5;
	[smem:$0x3FBB] =	sst s0  }
0x18: {  	s0 =	sld [smem:$0x3F9E];
	_ =	swait.ge [sflag:s4], $0x0  }
0x19: {  	s7 =	sld [smem:$0x3F9F]  }
0x1a: {  	s8 =	sadd.s32 $0xFFFFE003, lr  }
0x1b: {  	s9 =	sadd.s32 $0xFFFFFEF7, lr;
	s5 =	simm.s32 $0xFFFFFFFF;
	p2 =	slt.u32 s8, $0xFFFFF086  }
0x1c: {  	p1 =	slt.u32 s9, $0xF7A;
	s5 =	simm.s32 @!p2 $0x0  }
0x1d: {  	s5 =	simm.s32 @p1 $0x1;
	p0 =	seq.s32 s7, s2  }
0x1e: {  	s7 =	smul.u32 @!p0 $0xF7A, s2;
	p2 =	seq.s32 @!p0 s5, $0x0  }
0x1f: {  	s9 =	smul.u32 $0xF7A, s1;
	s8 =	simm.s32 @!p0 $0x1BF5;
	p2 =	por !p2, p0  }
0x20: {  	[sflag:s8] =	ssyncset.s32 @!p0 $0xFFFFF086;
	s6 =	sadd.s32 @!p0 s3, s7;
	s7 =	simm.s32 @!p0 $0x108  }
0x21: {  	s3 =	sadd.s32 s3, s9;
	s6 =	sadd.s32 @!p0 $0x88, s6;
	s7 =	simm.s32 @p2 $0x1082  }
0x22: {  	[simem:s7], [sflag:s8] =	dma.local @!p0 [hbm:s6], $0xF7A  }
0x23: {  	s9 =	sor.u32 $0xD0000000, s2;
	s6 =	simm.s32 $0x108;
	_ =	swait.ge @!p0 [sflag:s8], $0x0  }
0x24: {  	s3 =	sadd.s32 $0x88, s3;
	s6 =	simm.s32 @!p1 $0x1082;
	[sflag:s4] =	ssyncset.s32 $0xFFFFF086  }
0x25: {  	[simem:s6], [sflag:s4] =	dma.local [hbm:s3], $0xF7A  }
0x26: {  	[smem:$0x3F9F] =	sst s1;
	(tag) =	ssettag s2;
	_ =	strace s9  }
0x27: {  	s1 =	sld [smem:$0x3FAF]  }
0x28: {  	s2 =	sld [smem:$0x3FB0]  }
0x29: {  	s4 =	sld [smem:$0x3FB2]  }
0x2a: {  	p0 =	seq.s32 s5, $0x0;
	s5 =	sld [smem:$0x3FB3]  }
0x2b: {  	s6 =	sld [smem:$0x3FB4]  }
0x2c: {  	s7 =	sld [smem:$0x3FB5]  }
0x2d: {  	s3 =	simm.s32 $0x108;
	s8 =	sld [smem:$0x3FB6]  }
0x2e: {  	s3 =	simm.s32 @!p0 $0x1082;
	s9 =	sld [smem:$0x3FB7]  }
0x2f: {  	lr =	sadd.s32 s0, s3;
	s0 =	sld [smem:$0x3FAE]  }
0x30: {  	s3 =	sld [smem:$0x3FB1]  }
0x31: {  	[smem:$0x3FBA] =	sst s10  }
0x32: {  	s10 =	sld [smem:$0x3FB8];
	_ =	sdelay $0x3  }
0x33: {  	p0 =	seq.s32 s10, $0x1;
	s10 =	sld [smem:$0x3FBA];
	_ =	sdelay $0x3  }
0x34: {  	[smem:$0x3FBA] =	sst s10  }
0x35: {  	s10 =	sld [smem:$0x3FB9];
	_ =	sdelay $0x3  }
0x36: {  	p1 =	seq.s32 s10, $0x1;
	s10 =	sld [smem:$0x3FBA];
	_ =	sdelay $0x3  }
0x37: {  	[smem:$0x3FBA] =	sst s10  }
0x38: {  	s10 =	sld [smem:$0x3FBB]  }
0x39: {  	_ = 	snop;
	(pc) =	sbr.ind lr, $3  }
0x3a: {  	_ = 	snop  }
0x3b: {  	_ = 	snop  }
0x3c: {  	p2 =	seq.s32 s10, $0x1;
	s10 =	sld [smem:$0x3FBA]  }
0x3d: {  	_ =	shalt  }
0x3e: {  	_ =	shalt  }
0x3f: {  	_ =	shalt  }
0x40: {  	_ =	shalt  }
0x41: {  	_ =	shalt  }
0x42: {  	_ =	shalt  }
0x43: {  	_ =	shalt  }
0x44: {  	_ =	shalt  }
0x45: {  	_ =	shalt  }
0x46: {  	_ =	shalt  }
0x47: {  	_ =	shalt  }
0x48: {  	_ =	shalt  }
0x49: {  	_ =	shalt  }
0x4a: {  	_ =	shalt  }
0x4b: {  	_ =	shalt  }
0x4c: {  	_ =	shalt  }
0x4d: {  	_ =	shalt  }
0x4e: {  	_ =	shalt  }
0x4f: {  	_ =	shalt  }
0x50: {  	_ =	shalt  }
0x51: {  	_ =	shalt  }
0x52: {  	_ =	shalt  }
0x53: {  	_ =	shalt  }
0x54: {  	_ =	shalt  }
0x55: {  	_ =	shalt  }
0x56: {  	_ =	shalt  }
0x57: {  	_ =	shalt  }
0x58: {  	_ =	shalt  }
0x59: {  	_ =	shalt  }
0x5a: {  	_ =	shalt  }
0x5b: {  	_ =	shalt  }
0x5c: {  	_ =	shalt  }
0x5d: {  	_ =	shalt  }
0x5e: {  	_ =	shalt  }
0x5f: {  	_ =	shalt  }
0x60: {  	_ =	shalt  }
0x61: {  	_ =	shalt  }
0x62: {  	_ =	shalt  }
0x63: {  	_ =	shalt  }
0x64: {  	_ =	shalt  }
0x65: {  	_ =	shalt  }
0x66: {  	_ =	shalt  }
0x67: {  	_ =	shalt  }
0x68: {  	_ =	shalt  }
0x69: {  	_ =	shalt  }
0x6a: {  	_ =	shalt  }
0x6b: {  	_ =	shalt  }
0x6c: {  	_ =	shalt  }
0x6d: {  	_ =	shalt  }
0x6e: {  	_ =	shalt  }
0x6f: {  	_ =	shalt  }
0x70: {  	_ =	shalt  }
0x71: {  	_ =	shalt  }
0x72: {  	_ =	shalt  }
0x73: {  	_ =	shalt  }
0x74: {  	_ =	shalt  }
0x75: {  	_ =	shalt  }
0x76: {  	_ =	shalt  }
0x77: {  	_ =	shalt  }
0x78: {  	_ =	shalt  }
0x79: {  	_ =	shalt  }
0x7a: {  	_ =	shalt  }
0x7b: {  	_ =	shalt  }
0x7c: {  	_ =	shalt  }
0x7d: {  	_ =	shalt  }
0x7e: {  	_ =	shalt  }
0x7f: {  	_ =	shalt  }
0x80: {  	_ =	shalt  }
0x81: {  	_ =	shalt  }
0x82: {  	_ =	shalt  }
0x83: {  	_ =	shalt  }
0x84: {  	_ =	shalt  }
0x85: {  	_ =	shalt  }
0x86: {  	_ =	shalt  }
0x87: {  	_ =	shalt  }
.Lfunc_end0:
.L_simem_size_0:
called_computation.1_lowered:
.L_overlay_start_0:
0x88: {  	s2 =	sld [smem:$0x3FD9]  }
0x89: {  	s3 =	sld [smem:$0x3FFE];
	_ =	sdelay $0x1  }
0x8a: {  	s1 =	srdreg.scid  }
0x8b: {  	s0 =	sand.u32 $0x1, s1  }
0x8c: {  	s14 =	sshll.u32 s0, $0xA;
	s2 =	sadd.s32 s3, s2  }
0x8d: {  	s2 =	sadd.s32 s2, s14  }
0x8e: {  	[smem:$0x3FC6] =	sst s2  }
0x8f: {  	_ = 	snop  }
0x90: {  	s2 =	sld [smem:$0x3FD0];
	_ =	sdelay $0x2  }
0x91: {  	s15 =	simm.s32 $0xA;
	s4 =	simm.s32 $0x10  }
0x92: {  	[smem:s4], [sflag:s15] =	dma.local [hbm:s2], $0x1  }
0x93: {  	_ =	swait.eq [sflag:s15], $0x1  }
0x94: {  	[sflag:s15] =	ssyncset.done $0x0  }
0x95: {  	[sflag:s15] =	ssyncadd.s32 $0xFFFFFFFF  }
0x96: {  	s16 =	sld [smem:$0x10];
	(tm) =	ssettm $0x1  }
0x97: {  	s17 =	sld [smem:$0x3FFB];
	_ =	sdelay $0x3  }
0x98: {  	_ =	strace s17  }
0x99: {  	s3 =	sld [smem:$0x3FFC];
	_ =	sdelay $0x3  }
0x9a: {  	_ =	strace s3  }
0x9b: {  	s3 =	sld [smem:$0x3FFD];
	_ =	sdelay $0x3  }
0x9c: {  	_ =	strace s3  }
0x9d: {  	_ =	strace $0x8FFFFFFF  }
0x9e: {  	s18 =	sld [smem:$0x3FDB];
	_ =	sdelay $0x1  }
0x9f: {  	s19 =	simm.s32 $_scs_section_size  }
0xa0: {  	s5 =	simm.s32 $_size__tile_overlayer_lowered;
	s6 =	simm.s32 $_tile_overlayer_lowered  }
0xa1: {  	s22 =	simm.s32 $0x1BFF;
	s21 =	sshll.u32 s6, $0x1;
	s3 =	sadd.s32 s19, s18  }
0xa2: {  	s7 =	simm.s32 $0x0;
	s20 =	sshll.u32 s5, $0x1;
	s5 =	sadd.s32 s21, s3  }
0xa3: {  	[timem:s7], [sflag:s22] =	dma.local [hbm:s5], s20  }
0xa4: {  	_ =	swait.ge [sflag:s22], s20  }
0xa5: {  	s4 =	ssub.s32 $0x0, s20;
	[sflag:s22] =	ssyncset.done $0x0  }
0xa6: {  	[sflag:s22] =	ssyncadd.s32 s4;
	_ =	sdelay $0x1  }
0xa7: {  	s23 =	simm.s32 $0x1B8B  }
0xa8: {  	_ =	swait.ge [sflag:s23], $0x1  }
0xa9: {  	[sflag:s23] =	ssyncset.done $0x0  }
0xaa: {  	s25 =	simm.s32 $0x1B8E;
	s24 =	sld [smem:$0x3FFE];
	[sflag:s23] =	ssyncadd.s32 $0xFFFFFFFF  }
0xab: {  	s26 =	simm.s32 $execute0_lowered;
	[smem:$0x3FD2] =	sst s25  }
0xac: {  	s5 =	sshll.u32 s26, $0x1;
	_ =	strace $0x8000004C;
	[dreg:$0x1] =	wrdreg $0xFFFFFFFF  }
0xad: {  	s28 =	simm.s32 $_size_execute0_lowered;
	s3 =	sadd.s32 s3, s5;
	[dreg:$0x0] =	wrdreg $0x0  }
0xae: {  	s5 =	sshll.u32 s28, $0x1;
	[dreg:$0x2] =	wrdreg s3  }
0xaf: {  	[dreg:$0x3] =	wrdreg s5  }
0xb0: {  	[dreg:$0x4] =	wrdreg $0xC0  }
0xb1: {  	_ =	task [dreg:s7], $0x5FFFF  }
0xb2: {  	[dreg:$0x1] =	wrdreg $0xFFFFFFFF  }
0xb3: {  	[dreg:$0x0] =	wrdreg $0x60  }
0xb4: {  	[dreg:$0x2] =	wrdreg s16  }
0xb5: {  	[dreg:$0x3] =	wrdreg s24  }
0xb6: {  	[dreg:$0x4] =	wrdreg $0x9  }
0xb7: {  	_ =	task.clear_ibuf [dreg:s7], $0x5FFFF;
	_ =	strace $0x9000004C  }
0xb8: {  	s29 =	simm.s32 $0x9;
	_ =	strace $0x8000004E  }
0xb9: {  	_ =	swait.ge [sflag:s29], $0x1  }
0xba: {  	[sflag:s29] =	ssyncadd.s32 $0xFFFFFFFF  }
0xbb: {  	_ =	strace $0x9000004E  }
0xbc: {  	_ =	sfence  }
0xbd: {  	s30 =	sld [smem:$0x0];
	_ =	sdelay $0x2  }
0xbe: {  	s31 =	sshll.u32 s1, $0xD;
	s1 =	sshrl.u32 s1, $0x2  }
0xbf: {  	s3 =	sand.u32 $0x4000, s31;
	s1 =	sadd.s32 s1, s30  }
0xc0: {  	s0 =	sor.u32 s3, s0;
	s1 =	sshll.u32 s1, $0x11  }
0xc1: {  	s0 =	sor.u32 s1, s0  }
0xc2: {  	s0 =	sadd.s32 $0x8F2B, s0  }
0xc3: {  	[sflag:s0] =	ssyncadd.remote.s32 $0x1  }
0xc4: {  	_ =	sfence.sel $0xFFFF  }
0xc5: {  	[dreg:$0x0] =	wrdreg $0xFFFFFFFF;
	(pc) =	sbr.abs _section_cstart, $3  }
0xc6: {  	[dreg:$0x1] =	wrdreg $0xFFFFFFFF  }
0xc7: {  	_ =	task.clear_ibuf [dreg:s7], $0x2FFFF;
	_ =	strace $0x9FFFFFFF  }
0xc8: {  	(tm) =	ssettm $0x7FFFFFFF  }
0xc9: {  	_ =	shalt  }
tec
execute0_lowered:
.L_overlay_start_1:
0x0: {  	(tag) =	ssettag $0x1  }
0x1: {  	s1 =	srdreg.scid;
	s2 =	rddreg [dreg:$0x0]  }
0x2: {  	s0 =	stileid.u32;
	s3 =	rddreg [dreg:$0x1]  }
0x3: {  	s6 =	simm.s32 $0x1;
	s9 =	simm.s32 $0x1;
	s1 =	sshll.u32 s1, $0x8  }
0x4: {  	s10 =	simm.s32 $0x3;
	s4 =	sshll.u32 s0, $0x9;
	s5 =	sand.u32 $0x100, s1  }
0x5: {  	s13 =	simm.s32 $0x0;
	s12 =	simm.s32 $0x0;
	s4 =	sor.u32 s4, s5  }
0x6: {  	s1 =	rddreg [dreg:$0x2];
	_ =	strace $0x8000004D;
	s8 =	ssub.s32 $0x3000, s4  }
.Ltmp0:
0x7: {  	s5 =	sadd.s32 $0xA00, s3;
	s7 =	sand.u32 $0x1F00, s8;
	(pc) =	sbr.rel .LBB2_1-.Ltmp0, $4  }
0x8: {  	[sflag:s6] =	ssyncpa.u1 $0x0;
	s11 =	smov.u32 s4;
	p0 =	sne.s32 s7, $0x0  }
0x9: {  	s8 =	sshrl.u32 s8, $0xD;
	s7 =	simm.s32 $0x2;
	s9 =	simm.s32 @!p0 $0x0  }
0xa: {  	[sflag:s7] =	ssyncpa.u1 $0x0;
	p0 =	por $0x0, $0x0;
	s8 =	sadd.s32 s9, s8  }
0xb: {  	vm0 =	vmmov $0xffff;
	[sflag:s10] =	ssyncpa.u1 $0x0;
	s10 =	simm.s32 $0x0;
	s9 =	sadd.s32 $0x1, s8  }
.LBB2_4:
0xc: {  	v5 =	vshrl.u32 v1, $0xC;
	v6 =	vshll.u32 v1, $0x7  }
0xd: {  	vm1 =	veq.s32 v1, $0x80000000;
	v58 =	vand.u32 $0x3, v5;
	v59 =	vand.u32 $0x7FF80, v6  }
0xe: {  	v1 =	vsel vm1, $0xFFFFFFFF, v58;
	v5 =	vsel vm1, $0xFFFFFF80, v59  }
0xf: {  	v3 =	vor.u32 v4, v3;
	v60 =	vand.u32 $0xFFFFFC00, v5;
	v61 =	vand.u32 $0xFFFFFC00, v1  }
0x10: {  	v2 =	vor.u32 v2, v3;
	v63 =	vand.u32 $0x380, v5;
	v62 =	vadd.s32 v61, v60  }
0x11: {  	v1 =	vand.u32 $0x7F, v1;
	v3 =	vor.u32 v63, v62  }
0x12: {  	v1 =	vor.u32 v1, v3  }
0x13: {  	[tilespmem:s15], [sflag:$0x1] =	stream.indirect_vreg.gather [hbm4b:s2+s10], $0x1, v0, vm0, $0x4038;
	[tilespmem:$0x400] =	vst v63  }
0x14: {  	(ifvalue) =	ssetifvalue $0x7FFFFFFF  }
0x15: {  	[tilespmem:s16], [sflag:$0x1] =	stream.indirect_vreg.gather [hbm4b:s2+s10], $0x1, v2, vm0, $0x4038;
	[tilespmem:$0x400] =	vst v63  }
0x16: {  	s29 =	sadd.s32 $0x10, s16;
	(ifvalue) =	ssetifvalue $0x7FFFFFFF  }
0x17: {  	[tilespmem:s29], [sflag:$0x1] =	stream.indirect_vreg.gather [hbm4b:s2+s10], $0x1, v1, vm0, $0x4038;
	[tilespmem:$0x400] =	vst v63  }
0x18: {  	_ =	swait.ge [sflag:s6], $0x100  }
0x19: {  	s30 =	sshrl.u32 s13, $0x3;
	[sflag:s6] =	ssyncset.done $0x0  }
0x1a: {  	s31 =	sand.u32 $0x7, s13;
	s15 =	sadd.s32 s3, s30;
	[sflag:s6] =	ssyncadd.s32 $0xFFFFFF00  }
0x1b: {  	[hbm4b:s15+s31] =	stream.linear.scatter [tilespmem:s14], [sflag:$0x3], $0x100, $0x38;
	[tilespmem:$0x400] =	vst v63  }
.LBB2_5:
0x1c: {  	s15 =	sadd.s32 $0x2000, s11  }
0x1d: {  	p2 =	sgt.s32 s15, $0x2FFF  }
0x1e: {  	s15 =	smov.u32 @p2 s4;
	p2 =	sne.s32 s12, s9  }
.Ltmp1:
0x1f: {  	p1 =	slt.u32 s12, $0x2;
	(pc) =	sbr.rel @!p2 .LBB2_6-.Ltmp1, $4  }
0x20: {  	s14 =	simm.s32 @!p1 $0x3  }
0x21: {  	s16 =	sadd.s32 $0x1, s12;
	_ =	swait.ge @!p1 [sflag:s14], $0x100  }
0x22: {  	s13 =	smov.u32 s11;
	p0 =	por !p0, !p0;
	[sflag:s14] =	ssyncset.done @!p1 $0x0  }
0x23: {  	s12 =	smov.u32 s16;
	s11 =	smov.u32 s15;
	[sflag:s14] =	ssyncadd.s32 @!p1 $0xFFFFFF00  }
.LBB2_1:
0x24: {  	p1 =	sge.u32 s12, s8  }
0x25: {  	s14 =	sxor.u32 @!p1 $0xFFFFFFFF, s12  }
0x26: {  	s31 =	sadd.s32 $0xFFFFFFFF, s12;
	s15 =	sshrl.u32 @!p1 s11, $0x3;
	s14 =	sshll.u32 @!p1 s14, $0x8  }
0x27: {  	s16 =	sand.u32 @!p1 $0x7, s11;
	s15 =	sadd.s32 @!p1 s5, s15;
	s14 =	sand.u32 @!p1 $0x100, s14  }
0x28: {  	[tilespmem:s14], [sflag:$0x2] =	stream.linear.gather @!p1 [hbm4b:s15+s16], $0x100, $0x38;
	[tilespmem:$0x400] =	vst v63  }
0x29: {  	p1 =	sge.u32 s31, s8  }
.Ltmp2:
0x2a: {  	_ = 	snop;
	(pc) =	sbr.rel @p1 .LBB2_5-.Ltmp2, $1  }
0x2b: {  	_ =	sdelay $0x3  }
0x2c: {  	s14 =	simm.s32 $0x1  }
0x2d: {  	_ =	swait.ge [sflag:s7], $0x100;
	s14 =	simm.s32 @!p0 $0x0  }
0x2e: {  	[sflag:s7] =	ssyncset.done $0x0;
	s14 =	sshll.u32 s14, $0x8  }
0x2f: {  	[sflag:s7] =	ssyncadd.s32 $0xFFFFFF00;
	(ifvalue) =	ssetifvalue $0x7FFFFFFF;
	v0 =	vld.msk [tilespmem:s14+$0x0 ss:$0x1], $0xffff;
	_ =	sdelay $0x4  }
0x30: {  	s15 =	sadd.s32 $0x10, s14;
	v2 =	vshrl.u32 v0, $0xC;
	v3 =	vshll.u32 v0, $0x7  }
0x31: {  	v1 =	vld.msk [tilespmem:s15+$0x0 ss:$0x1], $0xffff;
	vm1 =	veq.s32 v0, $0x80000000;
	v0 =	vand.u32 $0x3, v2;
	v2 =	vand.u32 $0x7FF80, v3  }
0x32: {  	v0 =	vsel vm1, $0xFFFFFFFF, v0;
	v2 =	vsel vm1, $0xFFFFFF80, v2  }
0x33: {  	v3 =	vand.u32 $0xFFFFFC00, v2;
	v4 =	vand.u32 $0xFFFFFC00, v0  }
0x34: {  	v2 =	vand.u32 $0x380, v2;
	v3 =	vadd.s32 v4, v3  }
0x35: {  	v0 =	vand.u32 $0x7F, v0;
	v2 =	vor.u32 v2, v3  }
0x36: {  	v5 =	vshll.u32 v1, $0x7;
	v4 =	vshrl.u32 v1, $0xC;
	v0 =	vor.u32 v0, v2  }
0x37: {  	s16 =	sshll.u32 s12, $0x8;
	vm1 =	veq.s32 v1, $0x80000000;
	v1 =	vand.u32 $0x3, v4;
	v4 =	vand.u32 $0x7FF80, v5  }
0x38: {  	s16 =	sand.u32 $0x100, s16;
	s18 =	sadd.s32 $0x10, s15;
	v3 =	vsel vm1, $0xFFFFFFFF, v1;
	v4 =	vsel vm1, $0xFFFFFF80, v4  }
0x39: {  	s17 =	simm.s32 $0x20;
	s15 =	sor.u32 $0x200, s14;
	s14 =	sor.u32 $0x200, s16;
	v1 =	vld.msk [tilespmem:s18+$0x0 ss:$0x1], $0xffff;
	v5 =	vand.u32 $0xFFFFFC00, v4;
	v6 =	vand.u32 $0xFFFFFC00, v3  }
0x3a: {  	s16 =	sadd.s32 $0x10, s15;
	s18 =	sadd.s32 $0x10, s18;
	(ifvalue) =	ssetifvalue $0x7FFFFFFF;
	v2 =	vand.u32 $0x7F, v3;
	v4 =	vand.u32 $0x380, v4;
	v3 =	vadd.s32 v6, v5  }
.LBB2_3:
0x3b: {  	[tilespmem:s15], [sflag:$0x1] =	stream.indirect_vreg.gather [hbm4b:s2+s10], $0x1, v0, vm0, $0x4038;
	[tilespmem:$0x400] =	vst v63  }
0x3c: {  	s17 =	sadd.s32 $0x10, s17  }
0x3d: {  	v3 =	vor.u32 v4, v3;
	p1 =	slt.u32 s17, $0xF0  }
.Ltmp3:
0x3e: {  	v4 =	vshrl.u32 v1, $0xC;
	v5 =	vshll.u32 v1, $0x7;
	s15 =	smov.u32 s16;
	v0 =	vor.u32 v2, v3;
	v2 =	vmovc v1;
	v1 =	vld.msk [tilespmem:s18+$0x0 ss:$0x1], $0xffff;
	(pc) =	sbr.rel @p1 .LBB2_3-.Ltmp3, $4  }
0x3f: {  	v3 =	vand.u32 $0x7FF80, v5;
	vm1 =	veq.s32 v2, $0x80000000;
	v2 =	vand.u32 $0x3, v4  }
0x40: {  	v4 =	vsel vm1, $0xFFFFFFFF, v2;
	v5 =	vsel vm1, $0xFFFFFF80, v3  }
0x41: {  	v2 =	vand.u32 $0x7F, v4;
	v3 =	vand.u32 $0xFFFFFC00, v5;
	v4 =	vand.u32 $0xFFFFFC00, v4  }
0x42: {  	s16 =	sadd.s32 $0x10, s16;
	s18 =	sadd.s32 $0x10, s18;
	v3 =	vadd.s32 v4, v3;
	v4 =	vand.u32 $0x380, v5;
	(ifvalue) =	ssetifvalue $0x7FFFFFFF  }
.Ltmp4:
0x43: {  	_ = 	snop;
	(pc) =	sbr.rel .LBB2_4-.Ltmp4, $1  }
0x44: {  	_ =	sdelay $0x3  }
.LBB2_6:
0x45: {  	_ =	sfence.sel $0x180000  }
0x46: {  	s2 =	simm.s32 $0x2;
	[bflag:$0x0] =	sbarrier.arrive $0xFFFF  }
0x47: {  	s30 =	simm.s32 $0x3;
	[sflag:s2] =	ssyncpa.u1 $0x1  }
0x48: {  	s31 =	simm.s32 $0x1;
	[sflag:s30] =	ssyncpa.u1 $0x1  }
0x49: {  	[sflag:s31] =	ssyncpa.u1 $0x1  }
0x4a: {  	p0 =	sne.s32 s0, $0x0;
	_ =	strace $0x9000004D  }
0x4b: {  	s0 =	sadd.s32 @!p0 $0x100000, s1;
	[bflag:$0x2] =	sbarrier.arrive $0xFFFF  }
0x4c: {  	[sflag:s0] =	ssyncadd.tile.s32 @!p0 $0x1;
	_ =	shalt  }
.Lfunc_end2:
_tile_overlayer_lowered:
.L_overlay_start_2:
0x4d: {  	(tag) =	ssettag $0x2  }
0x4e: {  	s0 =	rddreg [dreg:$0x0];
	s2 =	stileid.u32  }
0x4f: {  	s1 =	rddreg [dreg:$0x1];
	p0 =	sne.s32 s2, $0x0  }
0x50: {  	s3 =	rddreg [dreg:$0x2];
	[bflag:$0x3] =	sbarrier.arrive $0xFFFF;
	s2 =	simm.s32 @!p0 $0x1C01  }
0x51: {  	[timem:s3], [sflag:s2] =	dma.local @!p0 [hbm:s0], s1  }
0x52: {  	s0 =	simm.s32 @!p0 $0x1  }
0x53: {  	_ =	swait.ge @!p0 [sflag:s0], s1  }
0x54: {  	s1 =	ssub.s32 @!p0 $0x0, s1;
	[sflag:s0] =	ssyncset.done @!p0 $0x0  }
0x55: {  	[sflag:s0] =	ssyncadd.s32 @!p0 s1  }
0x56: {  	[bflag:$0x3] =	sbarrier.arrive $0xFFFF  }
0x57: {  	_ =	shalt  }

// kernel: gather_offload_async_start
scs
__scs_entry_jumppad:
0x0: {  	(pc) =	sbr.rel $0x88, $3  }
0x1: {  	(tag) =	ssettag $0x0;
	lr =	simm.s32 $0x1  }
0x2: {  	[smem:$0x3F9F] =	sst lr;
	_ =	strace $0xD0000000  }
0x3: {  	_ = 	snop  }
0x4: {  	_ = 	snop  }
0x5: {  	_ = 	snop  }
0x6: {  	_ = 	snop  }
0x7: {  	_ = 	snop  }
__scs_overlays_trampoline_lowered:
0x8: {  	[smem:$0x3FAE] =	sst s0  }
0x9: {  	[smem:$0x3FAF] =	sst s1  }
0xa: {  	[smem:$0x3FB0] =	sst s2  }
0xb: {  	[smem:$0x3FB1] =	sst s3  }
0xc: {  	[smem:$0x3FB2] =	sst s4  }
0xd: {  	[smem:$0x3FB3] =	sst s5  }
0xe: {  	[smem:$0x3FB4] =	sst s6  }
0xf: {  	[smem:$0x3FB5] =	sst s7  }
0x10: {  	[smem:$0x3FB6] =	sst s8  }
0x11: {  	[smem:$0x3FB7] =	sst s9;
	s0 =	simm.s32 @!p0 $0x0  }
0x12: {  	s1 =	sld [smem:$0x3F9D];
	s0 =	simm.s32 @p0 $0x1  }
0x13: {  	[smem:$0x3FB8] =	sst s0;
	s0 =	simm.s32 @!p1 $0x0  }
0x14: {  	s2 =	sld [smem:$0x3F9C];
	s0 =	simm.s32 @p1 $0x1  }
0x15: {  	[smem:$0x3FB9] =	sst s0;
	s0 =	simm.s32 @!p2 $0x0  }
0x16: {  	s3 =	sld [smem:$0x3FDB];
	s0 =	simm.s32 @p2 $0x1  }
0x17: {  	s4 =	simm.s32 $0x1BF5;
	[smem:$0x3FBB] =	sst s0  }
0x18: {  	s0 =	sld [smem:$0x3F9E];
	_ =	swait.ge [sflag:s4], $0x0  }
0x19: {  	s7 =	sld [smem:$0x3F9F]  }
0x1a: {  	s8 =	sadd.s32 $0xFFFFE003, lr  }
0x1b: {  	s9 =	sadd.s32 $0xFFFFFEF7, lr;
	s5 =	simm.s32 $0xFFFFFFFF;
	p2 =	slt.u32 s8, $0xFFFFF086  }
0x1c: {  	p1 =	slt.u32 s9, $0xF7A;
	s5 =	simm.s32 @!p2 $0x0  }
0x1d: {  	s5 =	simm.s32 @p1 $0x1;
	p0 =	seq.s32 s7, s2  }
0x1e: {  	s7 =	smul.u32 @!p0 $0xF7A, s2;
	p2 =	seq.s32 @!p0 s5, $0x0  }
0x1f: {  	s9 =	smul.u32 $0xF7A, s1;
	s8 =	simm.s32 @!p0 $0x1BF5;
	p2 =	por !p2, p0  }
0x20: {  	[sflag:s8] =	ssyncset.s32 @!p0 $0xFFFFF086;
	s6 =	sadd.s32 @!p0 s3, s7;
	s7 =	simm.s32 @!p0 $0x108  }
0x21: {  	s3 =	sadd.s32 s3, s9;
	s6 =	sadd.s32 @!p0 $0x88, s6;
	s7 =	simm.s32 @p2 $0x1082  }
0x22: {  	[simem:s7], [sflag:s8] =	dma.local @!p0 [hbm:s6], $0xF7A  }
0x23: {  	s9 =	sor.u32 $0xD0000000, s2;
	s6 =	simm.s32 $0x108;
	_ =	swait.ge @!p0 [sflag:s8], $0x0  }
0x24: {  	s3 =	sadd.s32 $0x88, s3;
	s6 =	simm.s32 @!p1 $0x1082;
	[sflag:s4] =	ssyncset.s32 $0xFFFFF086  }
0x25: {  	[simem:s6], [sflag:s4] =	dma.local [hbm:s3], $0xF7A  }
0x26: {  	[smem:$0x3F9F] =	sst s1;
	(tag) =	ssettag s2;
	_ =	strace s9  }
0x27: {  	s1 =	sld [smem:$0x3FAF]  }
0x28: {  	s2 =	sld [smem:$0x3FB0]  }
0x29: {  	s4 =	sld [smem:$0x3FB2]  }
0x2a: {  	p0 =	seq.s32 s5, $0x0;
	s5 =	sld [smem:$0x3FB3]  }
0x2b: {  	s6 =	sld [smem:$0x3FB4]  }
0x2c: {  	s7 =	sld [smem:$0x3FB5]  }
0x2d: {  	s3 =	simm.s32 $0x108;
	s8 =	sld [smem:$0x3FB6]  }
0x2e: {  	s3 =	simm.s32 @!p0 $0x1082;
	s9 =	sld [smem:$0x3FB7]  }
0x2f: {  	lr =	sadd.s32 s0, s3;
	s0 =	sld [smem:$0x3FAE]  }
0x30: {  	s3 =	sld [smem:$0x3FB1]  }
0x31: {  	[smem:$0x3FBA] =	sst s10  }
0x32: {  	s10 =	sld [smem:$0x3FB8];
	_ =	sdelay $0x3  }
0x33: {  	p0 =	seq.s32 s10, $0x1;
	s10 =	sld [smem:$0x3FBA];
	_ =	sdelay $0x3  }
0x34: {  	[smem:$0x3FBA] =	sst s10  }
0x35: {  	s10 =	sld [smem:$0x3FB9];
	_ =	sdelay $0x3  }
0x36: {  	p1 =	seq.s32 s10, $0x1;
	s10 =	sld [smem:$0x3FBA];
	_ =	sdelay $0x3  }
0x37: {  	[smem:$0x3FBA] =	sst s10  }
0x38: {  	s10 =	sld [smem:$0x3FBB]  }
0x39: {  	_ = 	snop;
	(pc) =	sbr.ind lr, $3  }
0x3a: {  	_ = 	snop  }
0x3b: {  	_ = 	snop  }
0x3c: {  	p2 =	seq.s32 s10, $0x1;
	s10 =	sld [smem:$0x3FBA]  }
0x3d: {  	_ =	shalt  }
0x3e: {  	_ =	shalt  }
0x3f: {  	_ =	shalt  }
0x40: {  	_ =	shalt  }
0x41: {  	_ =	shalt  }
0x42: {  	_ =	shalt  }
0x43: {  	_ =	shalt  }
0x44: {  	_ =	shalt  }
0x45: {  	_ =	shalt  }
0x46: {  	_ =	shalt  }
0x47: {  	_ =	shalt  }
0x48: {  	_ =	shalt  }
0x49: {  	_ =	shalt  }
0x4a: {  	_ =	shalt  }
0x4b: {  	_ =	shalt  }
0x4c: {  	_ =	shalt  }
0x4d: {  	_ =	shalt  }
0x4e: {  	_ =	shalt  }
0x4f: {  	_ =	shalt  }
0x50: {  	_ =	shalt  }
0x51: {  	_ =	shalt  }
0x52: {  	_ =	shalt  }
0x53: {  	_ =	shalt  }
0x54: {  	_ =	shalt  }
0x55: {  	_ =	shalt  }
0x56: {  	_ =	shalt  }
0x57: {  	_ =	shalt  }
0x58: {  	_ =	shalt  }
0x59: {  	_ =	shalt  }
0x5a: {  	_ =	shalt  }
0x5b: {  	_ =	shalt  }
0x5c: {  	_ =	shalt  }
0x5d: {  	_ =	shalt  }
0x5e: {  	_ =	shalt  }
0x5f: {  	_ =	shalt  }
0x60: {  	_ =	shalt  }
0x61: {  	_ =	shalt  }
0x62: {  	_ =	shalt  }
0x63: {  	_ =	shalt  }
0x64: {  	_ =	shalt  }
0x65: {  	_ =	shalt  }
0x66: {  	_ =	shalt  }
0x67: {  	_ =	shalt  }
0x68: {  	_ =	shalt  }
0x69: {  	_ =	shalt  }
0x6a: {  	_ =	shalt  }
0x6b: {  	_ =	shalt  }
0x6c: {  	_ =	shalt  }
0x6d: {  	_ =	shalt  }
0x6e: {  	_ =	shalt  }
0x6f: {  	_ =	shalt  }
0x70: {  	_ =	shalt  }
0x71: {  	_ =	shalt  }
0x72: {  	_ =	shalt  }
0x73: {  	_ =	shalt  }
0x74: {  	_ =	shalt  }
0x75: {  	_ =	shalt  }
0x76: {  	_ =	shalt  }
0x77: {  	_ =	shalt  }
0x78: {  	_ =	shalt  }
0x79: {  	_ =	shalt  }
0x7a: {  	_ =	shalt  }
0x7b: {  	_ =	shalt  }
0x7c: {  	_ =	shalt  }
0x7d: {  	_ =	shalt  }
0x7e: {  	_ =	shalt  }
0x7f: {  	_ =	shalt  }
0x80: {  	_ =	shalt  }
0x81: {  	_ =	shalt  }
0x82: {  	_ =	shalt  }
0x83: {  	_ =	shalt  }
0x84: {  	_ =	shalt  }
0x85: {  	_ =	shalt  }
0x86: {  	_ =	shalt  }
0x87: {  	_ =	shalt  }
.Lfunc_end0:
.L_simem_size_0:
called_computation_lowered:
.L_overlay_start_0:
0x88: {  	s2 =	sld [smem:$0x3FD9]  }
0x89: {  	s3 =	sld [smem:$0x3FFE];
	_ =	sdelay $0x1  }
0x8a: {  	s1 =	srdreg.scid  }
0x8b: {  	s0 =	sand.u32 $0x1, s1  }
0x8c: {  	s16 =	sshll.u32 s0, $0xA;
	s2 =	sadd.s32 s3, s2  }
0x8d: {  	s2 =	sadd.s32 s2, s16  }
0x8e: {  	[smem:$0x3FC6] =	sst s2  }
0x8f: {  	_ = 	snop  }
0x90: {  	(tm) =	ssettm $0x1  }
0x91: {  	s17 =	sld [smem:$0x3FFB];
	_ =	sdelay $0x3  }
0x92: {  	_ =	strace s17  }
0x93: {  	s2 =	sld [smem:$0x3FFC];
	_ =	sdelay $0x3  }
0x94: {  	_ =	strace s2  }
0x95: {  	s2 =	sld [smem:$0x3FFD];
	_ =	sdelay $0x3  }
0x96: {  	_ =	strace s2  }
0x97: {  	_ =	strace $0x8FFFFFFF  }
0x98: {  	s18 =	sld [smem:$0x3FDB];
	_ =	sdelay $0x1  }
0x99: {  	s19 =	simm.s32 $_scs_section_size  }
0x9a: {  	s4 =	simm.s32 $_size__tile_overlayer_lowered;
	s5 =	simm.s32 $_tile_overlayer_lowered  }
0x9b: {  	s22 =	simm.s32 $0x1BFF;
	s21 =	sshll.u32 s5, $0x1;
	s2 =	sadd.s32 s19, s18  }
0x9c: {  	s6 =	simm.s32 $0x0;
	s20 =	sshll.u32 s4, $0x1;
	s4 =	sadd.s32 s21, s2  }
0x9d: {  	[timem:s6], [sflag:s22] =	dma.local [hbm:s4], s20  }
0x9e: {  	_ =	swait.ge [sflag:s22], s20  }
0x9f: {  	s3 =	ssub.s32 $0x0, s20;
	[sflag:s22] =	ssyncset.done $0x0  }
0xa0: {  	[sflag:s22] =	ssyncadd.s32 s3;
	_ =	sdelay $0x1  }
0xa1: {  	s23 =	simm.s32 $0x1B8B  }
0xa2: {  	_ =	swait.ge [sflag:s23], $0x1  }
0xa3: {  	[sflag:s23] =	ssyncset.done $0x0  }
0xa4: {  	s25 =	simm.s32 $0x1B8E;
	s24 =	sld [smem:$0x3FFE];
	[sflag:s23] =	ssyncadd.s32 $0xFFFFFFFF  }
0xa5: {  	s26 =	simm.s32 $execute0_lowered;
	[smem:$0x3FD2] =	sst s25  }
0xa6: {  	s4 =	sshll.u32 s26, $0x1;
	_ =	strace $0x80000049;
	[dreg:$0x1] =	wrdreg $0xFFFFFFFF  }
0xa7: {  	s28 =	simm.s32 $_size_execute0_lowered;
	s2 =	sadd.s32 s2, s4;
	[dreg:$0x0] =	wrdreg $0x0  }
0xa8: {  	s4 =	sshll.u32 s28, $0x1;
	[dreg:$0x2] =	wrdreg s2  }
0xa9: {  	[dreg:$0x3] =	wrdreg s4  }
0xaa: {  	[dreg:$0x4] =	wrdreg $0xC0  }
0xab: {  	_ =	task [dreg:s6], $0x5FFFF  }
0xac: {  	[dreg:$0x1] =	wrdreg $0xFFFFFFFF  }
0xad: {  	[dreg:$0x0] =	wrdreg $0x60  }
0xae: {  	[dreg:$0x2] =	wrdreg s24  }
0xaf: {  	[dreg:$0x3] =	wrdreg $0x9  }
0xb0: {  	_ =	task.clear_ibuf [dreg:s6], $0x4FFFF;
	_ =	strace $0x90000049  }
0xb1: {  	s29 =	simm.s32 $0x9;
	_ =	strace $0x8000004B  }
0xb2: {  	_ =	swait.ge [sflag:s29], $0x1  }
0xb3: {  	[sflag:s29] =	ssyncadd.s32 $0xFFFFFFFF  }
0xb4: {  	_ =	strace $0x9000004B  }
0xb5: {  	_ =	sfence  }
0xb6: {  	s30 =	sld [smem:$0x0];
	_ =	sdelay $0x2  }
0xb7: {  	s31 =	sshll.u32 s1, $0xD;
	s1 =	sshrl.u32 s1, $0x2  }
0xb8: {  	s3 =	sand.u32 $0x4000, s31;
	s1 =	sadd.s32 s1, s30  }
0xb9: {  	s0 =	sor.u32 s3, s0;
	s1 =	sshll.u32 s1, $0x11  }
0xba: {  	s0 =	sor.u32 s1, s0  }
0xbb: {  	s0 =	sadd.s32 $0x8F2B, s0  }
0xbc: {  	[sflag:s0] =	ssyncadd.remote.s32 $0x1  }
0xbd: {  	_ =	sfence.sel $0xFFFF  }
0xbe: {  	[dreg:$0x0] =	wrdreg $0xFFFFFFFF;
	(pc) =	sbr.abs _section_cstart, $3  }
0xbf: {  	[dreg:$0x1] =	wrdreg $0xFFFFFFFF  }
0xc0: {  	_ =	task.clear_ibuf [dreg:s6], $0x2FFFF;
	_ =	strace $0x9FFFFFFF  }
0xc1: {  	(tm) =	ssettm $0x7FFFFFFF  }
tec
execute0_lowered:
.L_overlay_start_1:
0x0: {  	(tag) =	ssettag $0x1  }
0x1: {  	s1 =	srdreg.scid  }
0x2: {  	s0 =	stileid.u32;
	s2 =	rddreg [dreg:$0x0];
	s6 =	simm.s32 $0x1  }
0x3: {  	s9 =	simm.s32 $0x1;
	s10 =	simm.s32 $0x3;
	s1 =	sshll.u32 s1, $0x8  }
0x4: {  	s13 =	simm.s32 $0x0;
	s3 =	sshll.u32 s0, $0x9;
	s4 =	sand.u32 $0x100, s1  }
0x5: {  	s12 =	simm.s32 $0x0;
	s5 =	sadd.s32 $0x1000, s2;
	s3 =	sor.u32 s3, s4  }
0x6: {  	s1 =	rddreg [dreg:$0x1];
	_ =	strace $0x8000004A;
	s8 =	ssub.s32 $0x3000, s3  }
.Ltmp0:
0x7: {  	s4 =	sadd.s32 $0xA00, s2;
	s7 =	sand.u32 $0x1F00, s8;
	(pc) =	sbr.rel .LBB2_1-.Ltmp0, $4  }
0x8: {  	[sflag:s6] =	ssyncpa.u1 $0x0;
	s11 =	smov.u32 s3;
	p0 =	sne.s32 s7, $0x0  }
0x9: {  	s8 =	sshrl.u32 s8, $0xD;
	s7 =	simm.s32 $0x2;
	s9 =	simm.s32 @!p0 $0x0  }
0xa: {  	[sflag:s7] =	ssyncpa.u1 $0x0;
	p0 =	por $0x0, $0x0;
	s8 =	sadd.s32 s9, s8  }
0xb: {  	vm0 =	vmmov $0xffff;
	[sflag:s10] =	ssyncpa.u1 $0x0;
	s10 =	simm.s32 $0x0;
	s9 =	sadd.s32 $0x1, s8  }
.LBB2_4:
0xc: {  	v1 =	vsel vm1, $0xFFFFFFFF, v1;
	v2 =	vand.u32 $0x3, v2  }
0xd: {  	v2 =	vsel vm1, $0xFFFFFFFF, v2;
	v3 =	vshll.u32 v1, $0x2  }
0xe: {  	v4 =	vand.u32 $0xFFFFC000, v2;
	v3 =	vand.u32 $0xFFFFFE00, v3;
	v2 =	vshll.u32 v2, $0x7  }
0xf: {  	v3 =	vadd.s32 v3, v4;
	v2 =	vand.u32 $0x180, v2  }
0x10: {  	v1 =	vand.u32 $0x7F, v1;
	v2 =	vor.u32 v2, v3  }
0x11: {  	v1 =	vor.u32 v1, v2;
	_ =	sdelay $0x1  }
0x12: {  	(ifvalue) =	ssetifvalue $0x7FFFFFFF;
	s15 =	sadd.s32 $0x10, s15  }
0x13: {  	[tilespmem:s15], [sflag:$0x1] =	stream.indirect_vreg.gather [hbm4b:s2+s10], $0x1, v0, vm0, $0x4038;
	[tilespmem:$0x400] =	vst v63  }
0x14: {  	(ifvalue) =	ssetifvalue $0x7FFFFFFF;
	s15 =	sadd.s32 $0x10, s15  }
0x15: {  	[tilespmem:s15], [sflag:$0x1] =	stream.indirect_vreg.gather [hbm4b:s2+s10], $0x1, v1, vm0, $0x4038;
	[tilespmem:$0x400] =	vst v63  }
0x16: {  	_ =	swait.ge [sflag:s6], $0x100  }
0x17: {  	s30 =	sshrl.u32 s13, $0x3;
	[sflag:s6] =	ssyncset.done $0x0  }
0x18: {  	s31 =	sand.u32 $0x7, s13;
	s15 =	sadd.s32 s5, s30;
	[sflag:s6] =	ssyncadd.s32 $0xFFFFFF00  }
0x19: {  	[hbm4b:s15+s31] =	stream.linear.scatter [tilespmem:s14], [sflag:$0x3], $0x100, $0x38;
	[tilespmem:$0x400] =	vst v63  }
.LBB2_5:
0x1a: {  	s15 =	sadd.s32 $0x2000, s11  }
0x1b: {  	p2 =	sgt.s32 s15, $0x2FFF  }
0x1c: {  	s15 =	smov.u32 @p2 s3;
	p2 =	sne.s32 s12, s9  }
.Ltmp1:
0x1d: {  	p1 =	slt.u32 s12, $0x2;
	(pc) =	sbr.rel @!p2 .LBB2_6-.Ltmp1, $4  }
0x1e: {  	s14 =	simm.s32 @!p1 $0x3  }
0x1f: {  	s16 =	sadd.s32 $0x1, s12;
	_ =	swait.ge @!p1 [sflag:s14], $0x100  }
0x20: {  	s13 =	smov.u32 s11;
	p0 =	por !p0, !p0;
	[sflag:s14] =	ssyncset.done @!p1 $0x0  }
0x21: {  	s12 =	smov.u32 s16;
	s11 =	smov.u32 s15;
	[sflag:s14] =	ssyncadd.s32 @!p1 $0xFFFFFF00  }
.LBB2_1:
0x22: {  	p1 =	sge.u32 s12, s8  }
0x23: {  	s14 =	sxor.u32 @!p1 $0xFFFFFFFF, s12  }
0x24: {  	s31 =	sadd.s32 $0xFFFFFFFF, s12;
	s15 =	sshrl.u32 @!p1 s11, $0x3;
	s14 =	sshll.u32 @!p1 s14, $0x8  }
0x25: {  	s16 =	sand.u32 @!p1 $0x7, s11;
	s15 =	sadd.s32 @!p1 s4, s15;
	s14 =	sand.u32 @!p1 $0x100, s14  }
0x26: {  	[tilespmem:s14], [sflag:$0x2] =	stream.linear.gather @!p1 [hbm4b:s15+s16], $0x100, $0x38;
	[tilespmem:$0x400] =	vst v63  }
0x27: {  	p1 =	sge.u32 s31, s8  }
.Ltmp2:
0x28: {  	_ = 	snop;
	(pc) =	sbr.rel @p1 .LBB2_5-.Ltmp2, $1  }
0x29: {  	_ =	sdelay $0x3  }
0x2a: {  	s14 =	simm.s32 $0x1  }
0x2b: {  	_ =	swait.ge [sflag:s7], $0x100;
	s14 =	simm.s32 @!p0 $0x0  }
0x2c: {  	[sflag:s7] =	ssyncset.done $0x0;
	s14 =	sshll.u32 s14, $0x8  }
0x2d: {  	[sflag:s7] =	ssyncadd.s32 $0xFFFFFF00;
	(ifvalue) =	ssetifvalue $0x7FFFFFFF;
	v0 =	vld.msk [tilespmem:s14+$0x0 ss:$0x1], $0xffff;
	_ =	sdelay $0x3  }
0x2e: {  	s15 =	sadd.s32 $0x10, s14  }
0x2f: {  	v2 =	vld.msk [tilespmem:s15+$0x0 ss:$0x1], $0xffff;
	vm1 =	veq.s32 v0, $0x80000000;
	v1 =	vand.u32 $0xFFF, v0;
	v0 =	vshrl.u32 v0, $0xC  }
0x30: {  	v1 =	vsel vm1, $0xFFFFFFFF, v1;
	v0 =	vand.u32 $0x3, v0  }
0x31: {  	v0 =	vsel vm1, $0xFFFFFFFF, v0;
	v3 =	vshll.u32 v1, $0x2  }
0x32: {  	v4 =	vand.u32 $0xFFFFC000, v0;
	v3 =	vand.u32 $0xFFFFFE00, v3;
	v0 =	vshll.u32 v0, $0x7  }
0x33: {  	v3 =	vadd.s32 v3, v4;
	v0 =	vand.u32 $0x180, v0  }
0x34: {  	v1 =	vand.u32 $0x7F, v1;
	vm1 =	veq.s32 v2, $0x80000000;
	v0 =	vor.u32 v0, v3  }
0x35: {  	v0 =	vor.u32 v1, v0;
	v1 =	vand.u32 $0xFFF, v2;
	v2 =	vshrl.u32 v2, $0xC  }
0x36: {  	s17 =	sadd.s32 $0x10, s15;
	v1 =	vsel vm1, $0xFFFFFFFF, v1;
	v2 =	vand.u32 $0x3, v2  }
0x37: {  	v3 =	vld.msk [tilespmem:s17+$0x0 ss:$0x1], $0xffff;
	v2 =	vsel vm1, $0xFFFFFFFF, v2;
	v63 =	vshll.u32 v1, $0x2  }
0x38: {  	v5 =	vand.u32 $0xFFFFC000, v2;
	v4 =	vand.u32 $0xFFFFFE00, v63;
	v2 =	vshll.u32 v2, $0x7  }
0x39: {  	s31 =	sshll.u32 s12, $0x8;
	s15 =	sor.u32 $0x200, s14;
	(ifvalue) =	ssetifvalue $0x7FFFFFFF;
	v4 =	vadd.s32 v4, v5;
	v2 =	vand.u32 $0x180, v2  }
0x3a: {  	[tilespmem:s15], [sflag:$0x1] =	stream.indirect_vreg.gather [hbm4b:s2+s10], $0x1, v0, vm0, $0x4038;
	v0 =	vand.u32 $0x7F, v1;
	v1 =	vor.u32 v2, v4;
	[tilespmem:$0x400] =	vst v63  }
0x3b: {  	s14 =	sand.u32 $0x100, s31;
	v0 =	vor.u32 v0, v1  }
0x3c: {  	s16 =	simm.s32 $0x20;
	s14 =	sor.u32 $0x200, s14;
	s17 =	sadd.s32 $0x10, s17;
	vm1 =	veq.s32 v3, $0x80000000;
	v2 =	vshrl.u32 v3, $0xC;
	v1 =	vand.u32 $0xFFF, v3  }
.LBB2_3:
0x3d: {  	v3 =	vld.msk [tilespmem:s17+$0x0 ss:$0x1], $0xffff;
	s16 =	sadd.s32 $0x10, s16;
	v1 =	vsel vm1, $0xFFFFFFFF, v1;
	v2 =	vand.u32 $0x3, v2  }
0x3e: {  	p1 =	slt.u32 s16, $0xF0;
	v2 =	vsel vm1, $0xFFFFFFFF, v2;
	v4 =	vshll.u32 v1, $0x2  }
.Ltmp3:
0x3f: {  	s15 =	sadd.s32 $0x10, s15;
	v5 =	vand.u32 $0xFFFFC000, v2;
	v4 =	vand.u32 $0xFFFFFE00, v4;
	v2 =	vshll.u32 v2, $0x7;
	(ifvalue) =	ssetifvalue $0x7FFFFFFF;
	(pc) =	sbr.rel @p1 .LBB2_3-.Ltmp3, $4  }
0x40: {  	v4 =	vadd.s32 v4, v5;
	v2 =	vand.u32 $0x180, v2;
	[tilespmem:s15], [sflag:$0x1] =	stream.indirect_vreg.gather [hbm4b:s2+s10], $0x1, v0, vm0, $0x4038;
	[tilespmem:$0x400] =	vst v63  }
0x41: {  	v0 =	vand.u32 $0x7F, v1;
	v1 =	vor.u32 v2, v4  }
0x42: {  	v0 =	vor.u32 v0, v1  }
0x43: {  	s17 =	sadd.s32 $0x10, s17;
	vm1 =	veq.s32 v3, $0x80000000;
	v1 =	vand.u32 $0xFFF, v3;
	v2 =	vshrl.u32 v3, $0xC  }
.Ltmp4:
0x44: {  	_ = 	snop;
	(pc) =	sbr.rel .LBB2_4-.Ltmp4, $1  }
0x45: {  	_ =	sdelay $0x3  }
.LBB2_6:
0x46: {  	_ =	sfence.sel $0x180000  }
0x47: {  	s2 =	simm.s32 $0x2;
	[bflag:$0x0] =	sbarrier.arrive $0xFFFF  }
0x48: {  	s30 =	simm.s32 $0x3;
	[sflag:s2] =	ssyncpa.u1 $0x1  }
0x49: {  	s31 =	simm.s32 $0x1;
	[sflag:s30] =	ssyncpa.u1 $0x1  }
0x4a: {  	[sflag:s31] =	ssyncpa.u1 $0x1  }
0x4b: {  	p0 =	sne.s32 s0, $0x0;
	_ =	strace $0x9000004A  }
0x4c: {  	s0 =	sadd.s32 @!p0 $0x100000, s1;
	[bflag:$0x2] =	sbarrier.arrive $0xFFFF  }
0x4d: {  	[sflag:s0] =	ssyncadd.tile.s32 @!p0 $0x1;
	_ =	shalt  }
.Lfunc_end2:
_tile_overlayer_lowered:
.L_overlay_start_2:
0x4e: {  	(tag) =	ssettag $0x2  }
0x4f: {  	s0 =	rddreg [dreg:$0x0];
	s2 =	stileid.u32  }
0x50: {  	s1 =	rddreg [dreg:$0x1];
	p0 =	sne.s32 s2, $0x0  }
0x51: {  	s3 =	rddreg [dreg:$0x2];
	[bflag:$0x3] =	sbarrier.arrive $0xFFFF;
	s2 =	simm.s32 @!p0 $0x1C01  }
0x52: {  	[timem:s3], [sflag:s2] =	dma.local @!p0 [hbm:s0], s1  }
0x53: {  	s0 =	simm.s32 @!p0 $0x1  }
0x54: {  	_ =	swait.ge @!p0 [sflag:s0], s1  }
0x55: {  	s1 =	ssub.s32 @!p0 $0x0, s1;
	[sflag:s0] =	ssyncset.done @!p0 $0x0  }
0x56: {  	[sflag:s0] =	ssyncadd.s32 @!p0 s1  }
0x57: {  	[bflag:$0x3] =	sbarrier.arrive $0xFFFF  }
0x58: {  	_ =	shalt  }

// kernel: kernel.5.cloned.1.call-start
scs
__scs_entry_jumppad:
0x0: {  	(pc) =	sbr.rel $0x88, $3  }
0x1: {  	(tag) =	ssettag $0x0;
	lr =	simm.s32 $0x1  }
0x2: {  	[smem:$0x3F9F] =	sst lr;
	_ =	strace $0xD0000000  }
0x3: {  	_ = 	snop  }
0x4: {  	_ = 	snop  }
0x5: {  	_ = 	snop  }
0x6: {  	_ = 	snop  }
0x7: {  	_ = 	snop  }
__scs_overlays_trampoline_lowered:
0x8: {  	[smem:$0x3FAE] =	sst s0  }
0x9: {  	[smem:$0x3FAF] =	sst s1  }
0xa: {  	[smem:$0x3FB0] =	sst s2  }
0xb: {  	[smem:$0x3FB1] =	sst s3  }
0xc: {  	[smem:$0x3FB2] =	sst s4  }
0xd: {  	[smem:$0x3FB3] =	sst s5  }
0xe: {  	[smem:$0x3FB4] =	sst s6  }
0xf: {  	[smem:$0x3FB5] =	sst s7  }
0x10: {  	[smem:$0x3FB6] =	sst s8  }
0x11: {  	[smem:$0x3FB7] =	sst s9;
	s0 =	simm.s32 @!p0 $0x0  }
0x12: {  	s1 =	sld [smem:$0x3F9D];
	s0 =	simm.s32 @p0 $0x1  }
0x13: {  	[smem:$0x3FB8] =	sst s0;
	s0 =	simm.s32 @!p1 $0x0  }
0x14: {  	s2 =	sld [smem:$0x3F9C];
	s0 =	simm.s32 @p1 $0x1  }
0x15: {  	[smem:$0x3FB9] =	sst s0;
	s0 =	simm.s32 @!p2 $0x0  }
0x16: {  	s3 =	sld [smem:$0x3FDB];
	s0 =	simm.s32 @p2 $0x1  }
0x17: {  	s4 =	simm.s32 $0x1BF5;
	[smem:$0x3FBB] =	sst s0  }
0x18: {  	s0 =	sld [smem:$0x3F9E];
	_ =	swait.ge [sflag:s4], $0x0  }
0x19: {  	s7 =	sld [smem:$0x3F9F]  }
0x1a: {  	s8 =	sadd.s32 $0xFFFFE003, lr  }
0x1b: {  	s9 =	sadd.s32 $0xFFFFFEF7, lr;
	s5 =	simm.s32 $0xFFFFFFFF;
	p2 =	slt.u32 s8, $0xFFFFF086  }
0x1c: {  	p1 =	slt.u32 s9, $0xF7A;
	s5 =	simm.s32 @!p2 $0x0  }
0x1d: {  	s5 =	simm.s32 @p1 $0x1;
	p0 =	seq.s32 s7, s2  }
0x1e: {  	s7 =	smul.u32 @!p0 $0xF7A, s2;
	p2 =	seq.s32 @!p0 s5, $0x0  }
0x1f: {  	s9 =	smul.u32 $0xF7A, s1;
	s8 =	simm.s32 @!p0 $0x1BF5;
	p2 =	por !p2, p0  }
0x20: {  	[sflag:s8] =	ssyncset.s32 @!p0 $0xFFFFF086;
	s6 =	sadd.s32 @!p0 s3, s7;
	s7 =	simm.s32 @!p0 $0x108  }
0x21: {  	s3 =	sadd.s32 s3, s9;
	s6 =	sadd.s32 @!p0 $0x88, s6;
	s7 =	simm.s32 @p2 $0x1082  }
0x22: {  	[simem:s7], [sflag:s8] =	dma.local @!p0 [hbm:s6], $0xF7A  }
0x23: {  	s9 =	sor.u32 $0xD0000000, s2;
	s6 =	simm.s32 $0x108;
	_ =	swait.ge @!p0 [sflag:s8], $0x0  }
0x24: {  	s3 =	sadd.s32 $0x88, s3;
	s6 =	simm.s32 @!p1 $0x1082;
	[sflag:s4] =	ssyncset.s32 $0xFFFFF086  }
0x25: {  	[simem:s6], [sflag:s4] =	dma.local [hbm:s3], $0xF7A  }
0x26: {  	[smem:$0x3F9F] =	sst s1;
	(tag) =	ssettag s2;
	_ =	strace s9  }
0x27: {  	s1 =	sld [smem:$0x3FAF]  }
0x28: {  	s2 =	sld [smem:$0x3FB0]  }
0x29: {  	s4 =	sld [smem:$0x3FB2]  }
0x2a: {  	p0 =	seq.s32 s5, $0x0;
	s5 =	sld [smem:$0x3FB3]  }
0x2b: {  	s6 =	sld [smem:$0x3FB4]  }
0x2c: {  	s7 =	sld [smem:$0x3FB5]  }
0x2d: {  	s3 =	simm.s32 $0x108;
	s8 =	sld [smem:$0x3FB6]  }
0x2e: {  	s3 =	simm.s32 @!p0 $0x1082;
	s9 =	sld [smem:$0x3FB7]  }
0x2f: {  	lr =	sadd.s32 s0, s3;
	s0 =	sld [smem:$0x3FAE]  }
0x30: {  	s3 =	sld [smem:$0x3FB1]  }
0x31: {  	[smem:$0x3FBA] =	sst s10  }
0x32: {  	s10 =	sld [smem:$0x3FB8];
	_ =	sdelay $0x3  }
0x33: {  	p0 =	seq.s32 s10, $0x1;
	s10 =	sld [smem:$0x3FBA];
	_ =	sdelay $0x3  }
0x34: {  	[smem:$0x3FBA] =	sst s10  }
0x35: {  	s10 =	sld [smem:$0x3FB9];
	_ =	sdelay $0x3  }
0x36: {  	p1 =	seq.s32 s10, $0x1;
	s10 =	sld [smem:$0x3FBA];
	_ =	sdelay $0x3  }
0x37: {  	[smem:$0x3FBA] =	sst s10  }
0x38: {  	s10 =	sld [smem:$0x3FBB]  }
0x39: {  	_ = 	snop;
	(pc) =	sbr.ind lr, $3  }
0x3a: {  	_ = 	snop  }
0x3b: {  	_ = 	snop  }
0x3c: {  	p2 =	seq.s32 s10, $0x1;
	s10 =	sld [smem:$0x3FBA]  }
0x3d: {  	_ =	shalt  }
0x3e: {  	_ =	shalt  }
0x3f: {  	_ =	shalt  }
0x40: {  	_ =	shalt  }
0x41: {  	_ =	shalt  }
0x42: {  	_ =	shalt  }
0x43: {  	_ =	shalt  }
0x44: {  	_ =	shalt  }
0x45: {  	_ =	shalt  }
0x46: {  	_ =	shalt  }
0x47: {  	_ =	shalt  }
0x48: {  	_ =	shalt  }
0x49: {  	_ =	shalt  }
0x4a: {  	_ =	shalt  }
0x4b: {  	_ =	shalt  }
0x4c: {  	_ =	shalt  }
0x4d: {  	_ =	shalt  }
0x4e: {  	_ =	shalt  }
0x4f: {  	_ =	shalt  }
0x50: {  	_ =	shalt  }
0x51: {  	_ =	shalt  }
0x52: {  	_ =	shalt  }
0x53: {  	_ =	shalt  }
0x54: {  	_ =	shalt  }
0x55: {  	_ =	shalt  }
0x56: {  	_ =	shalt  }
0x57: {  	_ =	shalt  }
0x58: {  	_ =	shalt  }
0x59: {  	_ =	shalt  }
0x5a: {  	_ =	shalt  }
0x5b: {  	_ =	shalt  }
0x5c: {  	_ =	shalt  }
0x5d: {  	_ =	shalt  }
0x5e: {  	_ =	shalt  }
0x5f: {  	_ =	shalt  }
0x60: {  	_ =	shalt  }
0x61: {  	_ =	shalt  }
0x62: {  	_ =	shalt  }
0x63: {  	_ =	shalt  }
0x64: {  	_ =	shalt  }
0x65: {  	_ =	shalt  }
0x66: {  	_ =	shalt  }
0x67: {  	_ =	shalt  }
0x68: {  	_ =	shalt  }
0x69: {  	_ =	shalt  }
0x6a: {  	_ =	shalt  }
0x6b: {  	_ =	shalt  }
0x6c: {  	_ =	shalt  }
0x6d: {  	_ =	shalt  }
0x6e: {  	_ =	shalt  }
0x6f: {  	_ =	shalt  }
0x70: {  	_ =	shalt  }
0x71: {  	_ =	shalt  }
0x72: {  	_ =	shalt  }
0x73: {  	_ =	shalt  }
0x74: {  	_ =	shalt  }
0x75: {  	_ =	shalt  }
0x76: {  	_ =	shalt  }
0x77: {  	_ =	shalt  }
0x78: {  	_ =	shalt  }
0x79: {  	_ =	shalt  }
0x7a: {  	_ =	shalt  }
0x7b: {  	_ =	shalt  }
0x7c: {  	_ =	shalt  }
0x7d: {  	_ =	shalt  }
0x7e: {  	_ =	shalt  }
0x7f: {  	_ =	shalt  }
0x80: {  	_ =	shalt  }
0x81: {  	_ =	shalt  }
0x82: {  	_ =	shalt  }
0x83: {  	_ =	shalt  }
0x84: {  	_ =	shalt  }
0x85: {  	_ =	shalt  }
0x86: {  	_ =	shalt  }
0x87: {  	_ =	shalt  }
.Lfunc_end0:
.L_simem_size_0:
called_computation.2_lowered:
.L_overlay_start_0:
0x88: {  	s2 =	sld [smem:$0x3FD9]  }
0x89: {  	s3 =	sld [smem:$0x3FFE];
	_ =	sdelay $0x1  }
0x8a: {  	s1 =	srdreg.scid  }
0x8b: {  	s0 =	sand.u32 $0x1, s1  }
0x8c: {  	s14 =	sshll.u32 s0, $0xA;
	s2 =	sadd.s32 s3, s2  }
0x8d: {  	s2 =	sadd.s32 s2, s14  }
0x8e: {  	[smem:$0x3FC6] =	sst s2  }
0x8f: {  	_ = 	snop  }
0x90: {  	s2 =	sld [smem:$0x3FD0];
	_ =	sdelay $0x2  }
0x91: {  	s4 =	simm.s32 $0xA;
	s5 =	simm.s32 $0x10;
	s15 =	sld [smem:$0x3FC8]  }
0x92: {  	[smem:s5], [sflag:s4] =	dma.local [hbm:s2], $0x1  }
0x93: {  	_ =	swait.eq [sflag:s4], $0x1  }
0x94: {  	[sflag:s4] =	ssyncset.done $0x0  }
0x95: {  	[sflag:s4] =	ssyncadd.s32 $0xFFFFFFFF  }
0x96: {  	s16 =	sld [smem:$0x11];
	(tm) =	ssettm $0x1  }
0x97: {  	s17 =	sld [smem:$0x3FFB];
	_ =	sdelay $0x3  }
0x98: {  	_ =	strace s17  }
0x99: {  	s4 =	sld [smem:$0x3FFC];
	_ =	sdelay $0x3  }
0x9a: {  	_ =	strace s4  }
0x9b: {  	s4 =	sld [smem:$0x3FFD];
	_ =	sdelay $0x3  }
0x9c: {  	_ =	strace s4  }
0x9d: {  	_ =	strace $0x8FFFFFFF  }
0x9e: {  	s18 =	sld [smem:$0x3FDB];
	_ =	sdelay $0x1  }
0x9f: {  	s19 =	simm.s32 $_scs_section_size  }
0xa0: {  	s6 =	simm.s32 $_size__tile_overlayer_lowered;
	s7 =	simm.s32 $_tile_overlayer_lowered  }
0xa1: {  	s22 =	simm.s32 $0x1BFF;
	s21 =	sshll.u32 s7, $0x1;
	s4 =	sadd.s32 s19, s18  }
0xa2: {  	s8 =	simm.s32 $0x0;
	s20 =	sshll.u32 s6, $0x1;
	s6 =	sadd.s32 s21, s4  }
0xa3: {  	[timem:s8], [sflag:s22] =	dma.local [hbm:s6], s20  }
0xa4: {  	_ =	swait.ge [sflag:s22], s20  }
0xa5: {  	s5 =	ssub.s32 $0x0, s20;
	[sflag:s22] =	ssyncset.done $0x0  }
0xa6: {  	[sflag:s22] =	ssyncadd.s32 s5;
	_ =	sdelay $0x1  }
0xa7: {  	s23 =	simm.s32 $0x1B8B  }
0xa8: {  	_ =	swait.ge [sflag:s23], $0x1  }
0xa9: {  	[sflag:s23] =	ssyncset.done $0x0  }
0xaa: {  	s25 =	simm.s32 $0x1B8E;
	s24 =	sld [smem:$0x3FFE];
	[sflag:s23] =	ssyncadd.s32 $0xFFFFFFFF  }
0xab: {  	s26 =	simm.s32 $execute0_lowered;
	[smem:$0x3FD2] =	sst s25  }
0xac: {  	s6 =	sshll.u32 s26, $0x1;
	_ =	strace $0x80000046;
	[dreg:$0x1] =	wrdreg $0xFFFFFFFF  }
0xad: {  	s28 =	simm.s32 $_size_execute0_lowered;
	s4 =	sadd.s32 s4, s6;
	[dreg:$0x0] =	wrdreg $0x0  }
0xae: {  	s6 =	sshll.u32 s28, $0x1;
	[dreg:$0x2] =	wrdreg s4  }
0xaf: {  	[dreg:$0x3] =	wrdreg s6  }
0xb0: {  	[dreg:$0x4] =	wrdreg $0xC0  }
0xb1: {  	_ =	task [dreg:s8], $0x5FFFF  }
0xb2: {  	[dreg:$0x1] =	wrdreg $0xFFFFFFFF  }
0xb3: {  	[dreg:$0x0] =	wrdreg $0x60  }
0xb4: {  	[dreg:$0x2] =	wrdreg s15  }
0xb5: {  	[dreg:$0x3] =	wrdreg s16  }
0xb6: {  	[dreg:$0x4] =	wrdreg s24  }
0xb7: {  	[dreg:$0x5] =	wrdreg $0x9  }
0xb8: {  	_ =	task.clear_ibuf [dreg:s8], $0x6FFFF;
	_ =	strace $0x90000046  }
0xb9: {  	s29 =	simm.s32 $0x9;
	_ =	strace $0x80000048  }
0xba: {  	_ =	swait.ge [sflag:s29], $0x1  }
0xbb: {  	[sflag:s29] =	ssyncadd.s32 $0xFFFFFFFF  }
0xbc: {  	_ =	strace $0x90000048  }
0xbd: {  	_ =	sfence  }
0xbe: {  	s30 =	sld [smem:$0x0];
	_ =	sdelay $0x2  }
0xbf: {  	s31 =	sshll.u32 s1, $0xD;
	s1 =	sshrl.u32 s1, $0x2  }
0xc0: {  	s3 =	sand.u32 $0x4000, s31;
	s1 =	sadd.s32 s1, s30  }
0xc1: {  	s0 =	sor.u32 s3, s0;
	s1 =	sshll.u32 s1, $0x11  }
0xc2: {  	s0 =	sor.u32 s1, s0  }
0xc3: {  	s0 =	sadd.s32 $0x8F2B, s0  }
0xc4: {  	[sflag:s0] =	ssyncadd.remote.s32 $0x1  }
0xc5: {  	_ =	sfence.sel $0xFFFF  }
0xc6: {  	[dreg:$0x0] =	wrdreg $0xFFFFFFFF;
	(pc) =	sbr.abs _section_cstart, $3  }
0xc7: {  	[dreg:$0x1] =	wrdreg $0xFFFFFFFF  }
0xc8: {  	_ =	task.clear_ibuf [dreg:s8], $0x2FFFF;
	_ =	strace $0x9FFFFFFF  }
0xc9: {  	(tm) =	ssettm $0x7FFFFFFF  }
tec
execute0_lowered:
.L_overlay_start_1:
0x0: {  	(tag) =	ssettag $0x1  }
0x1: {  	s1 =	rddreg [dreg:$0x0];
	s2 =	srdreg.scid  }
0x2: {  	s4 =	rddreg [dreg:$0x1];
	s0 =	stileid.u32;
	s14 =	sand.u32 $0x1, s2  }
0x3: {  	s15 =	rddreg [dreg:$0x2];
	s5 =	sshll.u32 s0, $0xA;
	s6 =	sshll.u32 s14, $0x9  }
0x4: {  	s3 =	simm.s32 $0x0;
	s2 =	rddreg [dreg:$0x3];
	s16 =	sor.u32 s6, s5  }
0x5: {  	[smem:$0x7FF] =	sst s3;
	s5 =	sshrl.u32 s16, $0x3  }
0x6: {  	_ =	strace $0x80000047;
	s5 =	sadd.s32 s4, s5;
	s4 =	simm.s32 $0x2  }
0x7: {  	[tilespmem:s3], [sflag:$0x2] =	stream.linear.gather [hbm4b:s5+s3], $0x200, $0x38;
	[tilespmem:$0x10200] =	vst v63  }
0x8: {  	_ =	swait.ge [sflag:s4], $0x200  }
0x9: {  	[sflag:s4] =	ssyncset.done $0x0  }
0xa: {  	s7 =	simm.s32 $0x200;
	s6 =	simm.s32 $0x80;
	[sflag:s4] =	ssyncadd.s32 $0xFFFFFE00  }
0xb: {  	[tilespmem:s7], [sflag:$0x1] =	stream.indirect.gather [hbm4b:s1+s6], $0x80, s3, s6, $0xb8;
	[tilespmem:$0x10200] =	vst v63  }
0xc: {  	s8 =	simm.s32 $0x4200  }
0xd: {  	[tilespmem:s8], [sflag:$0x1] =	stream.indirect.gather [hbm4b:s1+s6], $0x80, s6, s6, $0xb8;
	[tilespmem:$0x10200] =	vst v63  }
0xe: {  	s9 =	simm.s32 $0x100;
	s10 =	simm.s32 $0x8200  }
0xf: {  	[tilespmem:s10], [sflag:$0x1] =	stream.indirect.gather [hbm4b:s1+s6], $0x80, s9, s6, $0xb8;
	[tilespmem:$0x10200] =	vst v63  }
0x10: {  	s11 =	simm.s32 $0x180;
	s12 =	simm.s32 $0xC200;
	s13 =	simm.s32 $0x1  }
0x11: {  	[tilespmem:s12], [sflag:$0x1] =	stream.indirect.gather [hbm4b:s1+s6], $0x80, s11, s6, $0xb8;
	[tilespmem:$0x10200] =	vst v63  }
0x12: {  	_ =	swait.ge [sflag:s13], $0x4000  }
0x13: {  	[sflag:s13] =	ssyncset.done $0x0  }
0x14: {  	[sflag:s13] =	ssyncadd.s32 $0xFFFFC000  }
0x15: {  	_ =	swait.ge [sflag:s13], $0x4000  }
0x16: {  	[sflag:s13] =	ssyncset.done $0x0  }
0x17: {  	s14 =	ssub.s32 $0x2, s14;
	[sflag:s13] =	ssyncadd.s32 $0xFFFFC000  }
0x18: {  	s17 =	sshrl.u32 s14, $0x1;
	_ =	swait.ge [sflag:s13], $0x4000  }
0x19: {  	s30 =	ssub.s32 s14, s17;
	[sflag:s13] =	ssyncset.done $0x0  }
0x1a: {  	s31 =	smax.u32 s30, $0x1;
	[sflag:s13] =	ssyncadd.s32 $0xFFFFC000  }
0x1b: {  	s16 =	sshll.u32 s16, $0x4;
	p0 =	sne.s32 s31, $0x1;
	_ =	swait.ge [sflag:s13], $0x4000  }
.Ltmp0:
0x1c: {  	s15 =	sadd.s32 s16, s15;
	[sflag:s13] =	ssyncset.done $0x0;
	(pc) =	sbr.rel @!p0 .LBB2_2-.Ltmp0, $4  }
0x1d: {  	s14 =	sadd.s32 $0x800, s15;
	[sflag:s13] =	ssyncadd.s32 $0xFFFFC000  }
0x1e: {  	[hbm4b:s14+s3] =	stream.linear.scatter [tilespmem:s7], [sflag:$0x2], $0x10000, $0x38;
	[tilespmem:$0x10200] =	vst v63  }
0x1f: {  	_ =	swait.ge [sflag:s4], $0x10000  }
0x20: {  	s15 =	sadd.s32 $0xFFFFFFFF, s31;
	[sflag:s4] =	ssyncset.done $0x0  }
.LBB2_1:
0x21: {  	p0 =	sne.s32 s15, $0x1;
	s15 =	sadd.s32 $0xFFFFFFFF, s15;
	[sflag:s4] =	ssyncadd.s32 $0xFFFF0000  }
0x22: {  	[tilespmem:s3], [sflag:$0x2] =	stream.linear.gather [hbm4b:s5+s3], $0x200, $0x38;
	[tilespmem:$0x10200] =	vst v63  }
0x23: {  	_ =	swait.ge [sflag:s4], $0x200  }
0x24: {  	[sflag:s4] =	ssyncset.done $0x0  }
0x25: {  	[sflag:s4] =	ssyncadd.s32 $0xFFFFFE00  }
0x26: {  	[tilespmem:s7], [sflag:$0x1] =	stream.indirect.gather [hbm4b:s1+s6], $0x80, s3, s6, $0xb8;
	[tilespmem:$0x10200] =	vst v63  }
0x27: {  	_ = 	snop  }
0x28: {  	[tilespmem:s8], [sflag:$0x1] =	stream.indirect.gather [hbm4b:s1+s6], $0x80, s6, s6, $0xb8;
	[tilespmem:$0x10200] =	vst v63  }
0x29: {  	_ = 	snop  }
0x2a: {  	[tilespmem:s10], [sflag:$0x1] =	stream.indirect.gather [hbm4b:s1+s6], $0x80, s9, s6, $0xb8;
	[tilespmem:$0x10200] =	vst v63  }
0x2b: {  	_ = 	snop  }
0x2c: {  	[tilespmem:s12], [sflag:$0x1] =	stream.indirect.gather [hbm4b:s1+s6], $0x80, s11, s6, $0xb8;
	[tilespmem:$0x10200] =	vst v63  }
0x2d: {  	_ =	swait.ge [sflag:s13], $0x4000  }
0x2e: {  	[sflag:s13] =	ssyncset.done $0x0  }
0x2f: {  	[sflag:s13] =	ssyncadd.s32 $0xFFFFC000  }
0x30: {  	_ =	swait.ge [sflag:s13], $0x4000  }
0x31: {  	[sflag:s13] =	ssyncset.done $0x0  }
0x32: {  	[sflag:s13] =	ssyncadd.s32 $0xFFFFC000  }
0x33: {  	_ =	swait.ge [sflag:s13], $0x4000  }
0x34: {  	[sflag:s13] =	ssyncset.done $0x0  }
0x35: {  	[sflag:s13] =	ssyncadd.s32 $0xFFFFC000  }
0x36: {  	_ =	swait.ge [sflag:s13], $0x4000  }
.Ltmp1:
0x37: {  	[sflag:s13] =	ssyncset.done $0x0;
	(pc) =	sbr.rel @p0 .LBB2_1-.Ltmp1, $4  }
0x38: {  	[sflag:s13] =	ssyncadd.s32 $0xFFFFC000  }
0x39: {  	[hbm4b:s14+s3] =	stream.linear.scatter [tilespmem:s7], [sflag:$0x2], $0x10000, $0x38;
	[tilespmem:$0x10200] =	vst v63  }
0x3a: {  	_ =	swait.ge [sflag:s4], $0x10000  }
0x3b: {  	[sflag:s4] =	ssyncset.done $0x0  }
.LBB2_2:
0x3c: {  	[sflag:s4] =	ssyncadd.s32 $0xFFFF0000  }
0x3d: {  	_ =	sfence.sel $0x180000  }
0x3e: {  	[bflag:$0x0] =	sbarrier.arrive $0xFFFF  }
0x3f: {  	p0 =	sne.s32 s0, $0x0;
	_ =	strace $0x90000047  }
0x40: {  	s0 =	sadd.s32 @!p0 $0x100000, s2;
	[bflag:$0x2] =	sbarrier.arrive $0xFFFF  }
0x41: {  	[sflag:s0] =	ssyncadd.tile.s32 @!p0 $0x1;
	_ =	shalt  }
.Lfunc_end2:
_tile_overlayer_lowered:
.L_overlay_start_2:
0x42: {  	(tag) =	ssettag $0x2  }
0x43: {  	s0 =	rddreg [dreg:$0x0];
	s2 =	stileid.u32  }
0x44: {  	s1 =	rddreg [dreg:$0x1];
	p0 =	sne.s32 s2, $0x0  }
0x45: {  	s3 =	rddreg [dreg:$0x2];
	[bflag:$0x3] =	sbarrier.arrive $0xFFFF;
	s2 =	simm.s32 @!p0 $0x1C02  }
0x46: {  	[timem:s3], [sflag:s2] =	dma.local @!p0 [hbm:s0], s1  }
0x47: {  	s0 =	simm.s32 @!p0 $0x2  }
0x48: {  	_ =	swait.ge @!p0 [sflag:s0], s1  }
0x49: {  	s1 =	ssub.s32 @!p0 $0x0, s1;
	[sflag:s0] =	ssyncset.done @!p0 $0x0  }
0x4a: {  	[sflag:s0] =	ssyncadd.s32 @!p0 s1  }
0x4b: {  	[bflag:$0x3] =	sbarrier.arrive $0xFFFF  }
0x4c: {  	_ =	shalt  }

// kernel: kernel.8.cloned.1.call-start
scs
__scs_entry_jumppad:
0x0: {  	(pc) =	sbr.rel $0x88, $3  }
0x1: {  	(tag) =	ssettag $0x0;
	lr =	simm.s32 $0x1  }
0x2: {  	[smem:$0x3F9F] =	sst lr;
	_ =	strace $0xD0000000  }
0x3: {  	_ = 	snop  }
0x4: {  	_ = 	snop  }
0x5: {  	_ = 	snop  }
0x6: {  	_ = 	snop  }
0x7: {  	_ = 	snop  }
__scs_overlays_trampoline_lowered:
0x8: {  	[smem:$0x3FAE] =	sst s0  }
0x9: {  	[smem:$0x3FAF] =	sst s1  }
0xa: {  	[smem:$0x3FB0] =	sst s2  }
0xb: {  	[smem:$0x3FB1] =	sst s3  }
0xc: {  	[smem:$0x3FB2] =	sst s4  }
0xd: {  	[smem:$0x3FB3] =	sst s5  }
0xe: {  	[smem:$0x3FB4] =	sst s6  }
0xf: {  	[smem:$0x3FB5] =	sst s7  }
0x10: {  	[smem:$0x3FB6] =	sst s8  }
0x11: {  	[smem:$0x3FB7] =	sst s9;
	s0 =	simm.s32 @!p0 $0x0  }
0x12: {  	s1 =	sld [smem:$0x3F9D];
	s0 =	simm.s32 @p0 $0x1  }
0x13: {  	[smem:$0x3FB8] =	sst s0;
	s0 =	simm.s32 @!p1 $0x0  }
0x14: {  	s2 =	sld [smem:$0x3F9C];
	s0 =	simm.s32 @p1 $0x1  }
0x15: {  	[smem:$0x3FB9] =	sst s0;
	s0 =	simm.s32 @!p2 $0x0  }
0x16: {  	s3 =	sld [smem:$0x3FDB];
	s0 =	simm.s32 @p2 $0x1  }
0x17: {  	s4 =	simm.s32 $0x1BF5;
	[smem:$0x3FBB] =	sst s0  }
0x18: {  	s0 =	sld [smem:$0x3F9E];
	_ =	swait.ge [sflag:s4], $0x0  }
0x19: {  	s7 =	sld [smem:$0x3F9F]  }
0x1a: {  	s8 =	sadd.s32 $0xFFFFE003, lr  }
0x1b: {  	s9 =	sadd.s32 $0xFFFFFEF7, lr;
	s5 =	simm.s32 $0xFFFFFFFF;
	p2 =	slt.u32 s8, $0xFFFFF086  }
0x1c: {  	p1 =	slt.u32 s9, $0xF7A;
	s5 =	simm.s32 @!p2 $0x0  }
0x1d: {  	s5 =	simm.s32 @p1 $0x1;
	p0 =	seq.s32 s7, s2  }
0x1e: {  	s7 =	smul.u32 @!p0 $0xF7A, s2;
	p2 =	seq.s32 @!p0 s5, $0x0  }
0x1f: {  	s9 =	smul.u32 $0xF7A, s1;
	s8 =	simm.s32 @!p0 $0x1BF5;
	p2 =	por !p2, p0  }
0x20: {  	[sflag:s8] =	ssyncset.s32 @!p0 $0xFFFFF086;
	s6 =	sadd.s32 @!p0 s3, s7;
	s7 =	simm.s32 @!p0 $0x108  }
0x21: {  	s3 =	sadd.s32 s3, s9;
	s6 =	sadd.s32 @!p0 $0x88, s6;
	s7 =	simm.s32 @p2 $0x1082  }
0x22: {  	[simem:s7], [sflag:s8] =	dma.local @!p0 [hbm:s6], $0xF7A  }
0x23: {  	s9 =	sor.u32 $0xD0000000, s2;
	s6 =	simm.s32 $0x108;
	_ =	swait.ge @!p0 [sflag:s8], $0x0  }
0x24: {  	s3 =	sadd.s32 $0x88, s3;
	s6 =	simm.s32 @!p1 $0x1082;
	[sflag:s4] =	ssyncset.s32 $0xFFFFF086  }
0x25: {  	[simem:s6], [sflag:s4] =	dma.local [hbm:s3], $0xF7A  }
0x26: {  	[smem:$0x3F9F] =	sst s1;
	(tag) =	ssettag s2;
	_ =	strace s9  }
0x27: {  	s1 =	sld [smem:$0x3FAF]  }
0x28: {  	s2 =	sld [smem:$0x3FB0]  }
0x29: {  	s4 =	sld [smem:$0x3FB2]  }
0x2a: {  	p0 =	seq.s32 s5, $0x0;
	s5 =	sld [smem:$0x3FB3]  }
0x2b: {  	s6 =	sld [smem:$0x3FB4]  }
0x2c: {  	s7 =	sld [smem:$0x3FB5]  }
0x2d: {  	s3 =	simm.s32 $0x108;
	s8 =	sld [smem:$0x3FB6]  }
0x2e: {  	s3 =	simm.s32 @!p0 $0x1082;
	s9 =	sld [smem:$0x3FB7]  }
0x2f: {  	lr =	sadd.s32 s0, s3;
	s0 =	sld [smem:$0x3FAE]  }
0x30: {  	s3 =	sld [smem:$0x3FB1]  }
0x31: {  	[smem:$0x3FBA] =	sst s10  }
0x32: {  	s10 =	sld [smem:$0x3FB8];
	_ =	sdelay $0x3  }
0x33: {  	p0 =	seq.s32 s10, $0x1;
	s10 =	sld [smem:$0x3FBA];
	_ =	sdelay $0x3  }
0x34: {  	[smem:$0x3FBA] =	sst s10  }
0x35: {  	s10 =	sld [smem:$0x3FB9];
	_ =	sdelay $0x3  }
0x36: {  	p1 =	seq.s32 s10, $0x1;
	s10 =	sld [smem:$0x3FBA];
	_ =	sdelay $0x3  }
0x37: {  	[smem:$0x3FBA] =	sst s10  }
0x38: {  	s10 =	sld [smem:$0x3FBB]  }
0x39: {  	_ = 	snop;
	(pc) =	sbr.ind lr, $3  }
0x3a: {  	_ = 	snop  }
0x3b: {  	_ = 	snop  }
0x3c: {  	p2 =	seq.s32 s10, $0x1;
	s10 =	sld [smem:$0x3FBA]  }
0x3d: {  	_ =	shalt  }
0x3e: {  	_ =	shalt  }
0x3f: {  	_ =	shalt  }
0x40: {  	_ =	shalt  }
0x41: {  	_ =	shalt  }
0x42: {  	_ =	shalt  }
0x43: {  	_ =	shalt  }
0x44: {  	_ =	shalt  }
0x45: {  	_ =	shalt  }
0x46: {  	_ =	shalt  }
0x47: {  	_ =	shalt  }
0x48: {  	_ =	shalt  }
0x49: {  	_ =	shalt  }
0x4a: {  	_ =	shalt  }
0x4b: {  	_ =	shalt  }
0x4c: {  	_ =	shalt  }
0x4d: {  	_ =	shalt  }
0x4e: {  	_ =	shalt  }
0x4f: {  	_ =	shalt  }
0x50: {  	_ =	shalt  }
0x51: {  	_ =	shalt  }
0x52: {  	_ =	shalt  }
0x53: {  	_ =	shalt  }
0x54: {  	_ =	shalt  }
0x55: {  	_ =	shalt  }
0x56: {  	_ =	shalt  }
0x57: {  	_ =	shalt  }
0x58: {  	_ =	shalt  }
0x59: {  	_ =	shalt  }
0x5a: {  	_ =	shalt  }
0x5b: {  	_ =	shalt  }
0x5c: {  	_ =	shalt  }
0x5d: {  	_ =	shalt  }
0x5e: {  	_ =	shalt  }
0x5f: {  	_ =	shalt  }
0x60: {  	_ =	shalt  }
0x61: {  	_ =	shalt  }
0x62: {  	_ =	shalt  }
0x63: {  	_ =	shalt  }
0x64: {  	_ =	shalt  }
0x65: {  	_ =	shalt  }
0x66: {  	_ =	shalt  }
0x67: {  	_ =	shalt  }
0x68: {  	_ =	shalt  }
0x69: {  	_ =	shalt  }
0x6a: {  	_ =	shalt  }
0x6b: {  	_ =	shalt  }
0x6c: {  	_ =	shalt  }
0x6d: {  	_ =	shalt  }
0x6e: {  	_ =	shalt  }
0x6f: {  	_ =	shalt  }
0x70: {  	_ =	shalt  }
0x71: {  	_ =	shalt  }
0x72: {  	_ =	shalt  }
0x73: {  	_ =	shalt  }
0x74: {  	_ =	shalt  }
0x75: {  	_ =	shalt  }
0x76: {  	_ =	shalt  }
0x77: {  	_ =	shalt  }
0x78: {  	_ =	shalt  }
0x79: {  	_ =	shalt  }
0x7a: {  	_ =	shalt  }
0x7b: {  	_ =	shalt  }
0x7c: {  	_ =	shalt  }
0x7d: {  	_ =	shalt  }
0x7e: {  	_ =	shalt  }
0x7f: {  	_ =	shalt  }
0x80: {  	_ =	shalt  }
0x81: {  	_ =	shalt  }
0x82: {  	_ =	shalt  }
0x83: {  	_ =	shalt  }
0x84: {  	_ =	shalt  }
0x85: {  	_ =	shalt  }
0x86: {  	_ =	shalt  }
0x87: {  	_ =	shalt  }
.Lfunc_end0:
.L_simem_size_0:
called_computation.3_lowered:
.L_overlay_start_0:
0x88: {  	s2 =	sld [smem:$0x3FD9]  }
0x89: {  	s3 =	sld [smem:$0x3FFE];
	_ =	sdelay $0x1  }
0x8a: {  	s1 =	srdreg.scid  }
0x8b: {  	s0 =	sand.u32 $0x1, s1  }
0x8c: {  	s14 =	sshll.u32 s0, $0xA;
	s2 =	sadd.s32 s3, s2  }
0x8d: {  	s2 =	sadd.s32 s2, s14  }
0x8e: {  	[smem:$0x3FC6] =	sst s2  }
0x8f: {  	_ = 	snop  }
0x90: {  	s2 =	sld [smem:$0x3FD0];
	_ =	sdelay $0x2  }
0x91: {  	s4 =	simm.s32 $0xA;
	s5 =	simm.s32 $0x10;
	s15 =	sld [smem:$0x3FC8]  }
0x92: {  	[smem:s5], [sflag:s4] =	dma.local [hbm:s2], $0x1  }
0x93: {  	_ =	swait.eq [sflag:s4], $0x1  }
0x94: {  	[sflag:s4] =	ssyncset.done $0x0  }
0x95: {  	s16 =	sld [smem:$0x10];
	[sflag:s4] =	ssyncadd.s32 $0xFFFFFFFF  }
0x96: {  	s17 =	sld [smem:$0x12];
	(tm) =	ssettm $0x1  }
0x97: {  	s18 =	sld [smem:$0x3FFB];
	_ =	sdelay $0x3  }
0x98: {  	_ =	strace s18  }
0x99: {  	s5 =	sld [smem:$0x3FFC];
	_ =	sdelay $0x3  }
0x9a: {  	_ =	strace s5  }
0x9b: {  	s5 =	sld [smem:$0x3FFD];
	_ =	sdelay $0x3  }
0x9c: {  	_ =	strace s5  }
0x9d: {  	_ =	strace $0x8FFFFFFF  }
0x9e: {  	s19 =	sld [smem:$0x3FDB];
	_ =	sdelay $0x1  }
0x9f: {  	s6 =	simm.s32 $_scs_section_size  }
0xa0: {  	s7 =	simm.s32 $_size__tile_overlayer_lowered;
	s8 =	simm.s32 $_tile_overlayer_lowered  }
0xa1: {  	s22 =	simm.s32 $0x1BFF;
	s21 =	sshll.u32 s8, $0x1;
	s5 =	sadd.s32 s6, s19  }
0xa2: {  	s9 =	simm.s32 $0x0;
	s20 =	sshll.u32 s7, $0x1;
	s7 =	sadd.s32 s21, s5  }
0xa3: {  	[timem:s9], [sflag:s22] =	dma.local [hbm:s7], s20  }
0xa4: {  	_ =	swait.ge [sflag:s22], s20  }
0xa5: {  	s6 =	ssub.s32 $0x0, s20;
	[sflag:s22] =	ssyncset.done $0x0  }
0xa6: {  	[sflag:s22] =	ssyncadd.s32 s6;
	_ =	sdelay $0x1  }
0xa7: {  	s23 =	simm.s32 $0x1B8B  }
0xa8: {  	_ =	swait.ge [sflag:s23], $0x1  }
0xa9: {  	[sflag:s23] =	ssyncset.done $0x0  }
0xaa: {  	s25 =	simm.s32 $0x1B8E;
	s24 =	sld [smem:$0x3FFE];
	[sflag:s23] =	ssyncadd.s32 $0xFFFFFFFF  }
0xab: {  	s26 =	simm.s32 $execute0_lowered;
	[smem:$0x3FD2] =	sst s25  }
0xac: {  	s7 =	sshll.u32 s26, $0x1;
	_ =	strace $0x8000004F;
	[dreg:$0x1] =	wrdreg $0xFFFFFFFF  }
0xad: {  	s28 =	simm.s32 $_size_execute0_lowered;
	s5 =	sadd.s32 s5, s7;
	[dreg:$0x0] =	wrdreg $0x0  }
0xae: {  	s7 =	sshll.u32 s28, $0x1;
	[dreg:$0x2] =	wrdreg s5  }
0xaf: {  	[dreg:$0x3] =	wrdreg s7  }
0xb0: {  	[dreg:$0x4] =	wrdreg $0xC0  }
0xb1: {  	_ =	task [dreg:s9], $0x5FFFF  }
0xb2: {  	[dreg:$0x1] =	wrdreg $0xFFFFFFFF  }
0xb3: {  	[dreg:$0x0] =	wrdreg $0x60  }
0xb4: {  	[dreg:$0x2] =	wrdreg s15  }
0xb5: {  	[dreg:$0x3] =	wrdreg s24  }
0xb6: {  	[dreg:$0x4] =	wrdreg s17  }
0xb7: {  	[dreg:$0x5] =	wrdreg s16  }
0xb8: {  	[dreg:$0x6] =	wrdreg $0x9  }
0xb9: {  	_ =	task.clear_ibuf [dreg:s9], $0x7FFFF;
	_ =	strace $0x9000004F  }
0xba: {  	s29 =	simm.s32 $0x9;
	_ =	strace $0x80000051  }
0xbb: {  	_ =	swait.ge [sflag:s29], $0x1  }
0xbc: {  	[sflag:s29] =	ssyncadd.s32 $0xFFFFFFFF  }
0xbd: {  	_ =	strace $0x90000051  }
0xbe: {  	_ =	sfence  }
0xbf: {  	s30 =	sld [smem:$0x0];
	_ =	sdelay $0x2  }
0xc0: {  	s31 =	sshll.u32 s1, $0xD;
	s1 =	sshrl.u32 s1, $0x2  }
0xc1: {  	s3 =	sand.u32 $0x4000, s31;
	s1 =	sadd.s32 s1, s30  }
0xc2: {  	s0 =	sor.u32 s3, s0;
	s1 =	sshll.u32 s1, $0x11  }
0xc3: {  	s0 =	sor.u32 s1, s0  }
0xc4: {  	s0 =	sadd.s32 $0x8F2B, s0  }
0xc5: {  	[sflag:s0] =	ssyncadd.remote.s32 $0x1  }
0xc6: {  	_ =	sfence.sel $0xFFFF  }
0xc7: {  	[dreg:$0x0] =	wrdreg $0xFFFFFFFF;
	(pc) =	sbr.abs _section_cstart, $3  }
0xc8: {  	[dreg:$0x1] =	wrdreg $0xFFFFFFFF  }
0xc9: {  	_ =	task.clear_ibuf [dreg:s9], $0x2FFFF;
	_ =	strace $0x9FFFFFFF  }
0xca: {  	(tm) =	ssettm $0x7FFFFFFF  }
0xcb: {  	_ =	shalt  }
tec
execute0_lowered:
.L_overlay_start_1:
0x0: {  	(tag) =	ssettag $0x1  }
0x1: {  	s1 =	rddreg [dreg:$0x0]  }
0x2: {  	s4 =	rddreg [dreg:$0x1]  }
0x3: {  	s5 =	rddreg [dreg:$0x2]  }
0x4: {  	s2 =	srdreg.scid;
	s0 =	stileid.u32  }
0x5: {  	s7 =	rddreg [dreg:$0x3];
	s3 =	simm.s32 $0x0;
	s13 =	simm.s32 $0x4200  }
0x6: {  	s14 =	simm.s32 $0x100;
	s15 =	simm.s32 $0x8200;
	s16 =	simm.s32 $0x1  }
0x7: {  	s17 =	simm.s32 $0xC200;
	s6 =	sand.u32 $0x1, s2;
	s8 =	sshll.u32 s0, $0x1  }
0x8: {  	s18 =	simm.s32 $0x0;
	s2 =	rddreg [dreg:$0x4];
	s8 =	sor.u32 s6, s8  }
0x9: {  	[smem:$0x7FF] =	sst s3;
	s6 =	ssub.s32 $0x2, s6;
	s9 =	smul.u32 $0x1800, s8  }
0xa: {  	s10 =	sshrl.u32 s6, $0x1;
	s11 =	sshll.u32 s8, $0x6;
	s8 =	sshll.u32 s8, $0xB  }
0xb: {  	_ =	strace $0x80000050;
	s10 =	ssub.s32 s6, s10;
	s7 =	sadd.s32 s7, s8  }
0xc: {  	s12 =	sadd.s32 s9, s4;
	s4 =	sadd.s32 s4, s11;
	s5 =	sadd.s32 s5, s9  }
0xd: {  	s8 =	smax.u32 s10, $0x1;
	s9 =	simm.s32 $0x2;
	s10 =	simm.s32 $0x10200  }
0xe: {  	s11 =	simm.s32 $0x80;
	s6 =	sadd.s32 $0x800, s12;
	s12 =	simm.s32 $0x200  }
.LBB2_1:
0xf: {  	[tilespmem:s3], [sflag:$0x2] =	stream.linear.gather [hbm4b:s4+s3], $0x180, $0x38;
	[tilespmem:$0x1C200] =	vst v63  }
0x10: {  	_ =	swait.ge [sflag:s9], $0x180  }
0x11: {  	[sflag:s9] =	ssyncset.done $0x0  }
0x12: {  	[sflag:s9] =	ssyncadd.s32 $0xFFFFFE80  }
0x13: {  	[tilespmem:s10], [sflag:$0x2] =	stream.linear.gather [hbm4b:s5+s3], $0xC000, $0x38;
	[tilespmem:$0x1C200] =	vst v63  }
0x14: {  	_ =	swait.ge [sflag:s9], $0xC000  }
0x15: {  	[sflag:s9] =	ssyncset.done $0x0  }
0x16: {  	[sflag:s9] =	ssyncadd.s32 $0xFFFF4000  }
0x17: {  	[tilespmem:s12], [sflag:$0x1] =	stream.indirect.gather [hbm4b:s1+s11], $0x80, s3, s11, $0xb8;
	[tilespmem:$0x1C200] =	vst v63  }
0x18: {  	_ = 	snop  }
0x19: {  	[tilespmem:s13], [sflag:$0x1] =	stream.indirect.gather [hbm4b:s1+s11], $0x80, s11, s11, $0xb8;
	[tilespmem:$0x1C200] =	vst v63  }
0x1a: {  	_ = 	snop  }
0x1b: {  	[tilespmem:s15], [sflag:$0x1] =	stream.indirect.gather [hbm4b:s1+s11], $0x80, s14, s11, $0xb8;
	[tilespmem:$0x1C200] =	vst v63  }
0x1c: {  	_ =	swait.ge [sflag:s16], $0x4000  }
0x1d: {  	[sflag:s16] =	ssyncset.done $0x0  }
0x1e: {  	[sflag:s16] =	ssyncadd.s32 $0xFFFFC000  }
0x1f: {  	_ =	swait.ge [sflag:s16], $0x4000  }
0x20: {  	[sflag:s16] =	ssyncset.done $0x0  }
0x21: {  	[sflag:s16] =	ssyncadd.s32 $0xFFFFC000  }
0x22: {  	_ =	swait.ge [sflag:s16], $0x4000  }
0x23: {  	[sflag:s16] =	ssyncset.done $0x0  }
0x24: {  	[sflag:s16] =	ssyncadd.s32 $0xFFFFC000  }
0x25: {  	[hbm4b:s6+s3] =	stream.linear.scatter [tilespmem:s12], [sflag:$0x2], $0xC000, $0x38;
	[tilespmem:$0x1C200] =	vst v63  }
0x26: {  	_ =	swait.ge [sflag:s9], $0xC000  }
0x27: {  	[sflag:s9] =	ssyncset.done $0x0  }
0x28: {  	s19 =	simm.s32 $0x170;
	[sflag:s9] =	ssyncadd.s32 $0xFFFF4000  }
0x29: {  	v0 =	vld [tilespmem:s19+$0x110]  }
0x2a: {  	v1 =	vld [tilespmem:s19+$0x10090]  }
0x2b: {  	v2 =	vld [tilespmem:s19+$0x10110]  }
0x2c: {  	v3 =	vld [tilespmem:s19+$0x90]  }
0x2d: {  	v4 =	vld [tilespmem:s19+$0x190]  }
0x2e: {  	v5 =	vld [tilespmem:s19+$0x10190];
	_ =	sdelay $0x2  }
0x2f: {  	v0 =	vmul.f32 v0, v2;
	v1 =	vmul.f32 v3, v1;
	_ =	sdelay $0x1  }
0x30: {  	v0 =	vadd.f32 v0, v1;
	v1 =	vmul.f32 v4, v5;
	_ =	sdelay $0x1  }
0x31: {  	v0 =	vadd.f32 v1, v0  }
0x32: {  	s20 =	simm.s32 $0xC240  }
0x33: {  	[tilespmem:s20+$0xFFFFFFC0] =	vst v0  }
0x34: {  	v0 =	vld [tilespmem:s19+$0x100A0]  }
0x35: {  	v1 =	vld [tilespmem:s19+$0xA0]  }
0x36: {  	v2 =	vld [tilespmem:s19+$0x10120]  }
0x37: {  	v3 =	vld [tilespmem:s19+$0x120]  }
0x38: {  	v4 =	vld [tilespmem:s19+$0x1A0]  }
0x39: {  	v5 =	vld [tilespmem:s19+$0x101A0];
	_ =	sdelay $0x2  }
0x3a: {  	v0 =	vmul.f32 v1, v0;
	v1 =	vmul.f32 v3, v2;
	_ =	sdelay $0x1  }
0x3b: {  	v0 =	vadd.f32 v1, v0;
	v1 =	vmul.f32 v4, v5;
	_ =	sdelay $0x1  }
0x3c: {  	v0 =	vadd.f32 v1, v0;
	_ =	sdelay $0x1  }
0x3d: {  	[tilespmem:s20+$0xFFFFFFD0] =	vst v0  }
0x3e: {  	v0 =	vld [tilespmem:s19+$0x10130]  }
0x3f: {  	v1 =	vld [tilespmem:s19+$0xB0]  }
0x40: {  	v2 =	vld [tilespmem:s19+$0x100B0]  }
0x41: {  	v3 =	vld [tilespmem:s19+$0x130]  }
0x42: {  	v4 =	vld [tilespmem:s19+$0x101B0]  }
0x43: {  	v5 =	vld [tilespmem:s19+$0x1B0];
	_ =	sdelay $0x2  }
0x44: {  	v1 =	vmul.f32 v1, v2;
	v0 =	vmul.f32 v3, v0;
	_ =	sdelay $0x1  }
0x45: {  	v0 =	vadd.f32 v0, v1;
	v1 =	vmul.f32 v5, v4;
	_ =	sdelay $0x1  }
0x46: {  	v0 =	vadd.f32 v1, v0;
	_ =	sdelay $0x1  }
0x47: {  	[tilespmem:s20+$0xFFFFFFE0] =	vst v0  }
0x48: {  	v0 =	vld [tilespmem:s19+$0x140]  }
0x49: {  	v1 =	vld [tilespmem:s19+$0x100C0]  }
0x4a: {  	v2 =	vld [tilespmem:s19+$0xC0]  }
0x4b: {  	v3 =	vld [tilespmem:s19+$0x10140]  }
0x4c: {  	v4 =	vld [tilespmem:s19+$0x1C0]  }
0x4d: {  	v5 =	vld [tilespmem:s19+$0x101C0];
	_ =	sdelay $0x2  }
0x4e: {  	v1 =	vmul.f32 v2, v1;
	v0 =	vmul.f32 v0, v3;
	_ =	sdelay $0x1  }
0x4f: {  	v0 =	vadd.f32 v0, v1;
	v1 =	vmul.f32 v4, v5;
	_ =	sdelay $0x1  }
0x50: {  	v0 =	vadd.f32 v1, v0;
	_ =	sdelay $0x1  }
0x51: {  	[tilespmem:s20+$0xFFFFFFF0] =	vst v0  }
0x52: {  	v0 =	vld [tilespmem:s19+$0x150]  }
0x53: {  	v1 =	vld [tilespmem:s19+$0xD0]  }
0x54: {  	v2 =	vld [tilespmem:s19+$0x100D0]  }
0x55: {  	v3 =	vld [tilespmem:s19+$0x10150]  }
0x56: {  	v4 =	vld [tilespmem:s19+$0x101D0]  }
0x57: {  	v5 =	vld [tilespmem:s19+$0x1D0];
	_ =	sdelay $0x2  }
0x58: {  	v1 =	vmul.f32 v1, v2;
	v0 =	vmul.f32 v0, v3;
	_ =	sdelay $0x1  }
0x59: {  	v0 =	vadd.f32 v0, v1;
	v1 =	vmul.f32 v5, v4;
	_ =	sdelay $0x1  }
0x5a: {  	v0 =	vadd.f32 v1, v0;
	_ =	sdelay $0x1  }
0x5b: {  	[tilespmem:s20+$0x0] =	vst v0  }
0x5c: {  	v0 =	vld [tilespmem:s19+$0x100E0]  }
0x5d: {  	v1 =	vld [tilespmem:s19+$0xE0]  }
0x5e: {  	v2 =	vld [tilespmem:s19+$0x160]  }
0x5f: {  	v3 =	vld [tilespmem:s19+$0x10160]  }
0x60: {  	v4 =	vld [tilespmem:s19+$0x101E0]  }
0x61: {  	v5 =	vld [tilespmem:s19+$0x1E0];
	_ =	sdelay $0x2  }
0x62: {  	v0 =	vmul.f32 v1, v0;
	v1 =	vmul.f32 v2, v3;
	_ =	sdelay $0x1  }
0x63: {  	v0 =	vadd.f32 v1, v0;
	v1 =	vmul.f32 v5, v4;
	_ =	sdelay $0x1  }
0x64: {  	v0 =	vadd.f32 v1, v0;
	_ =	sdelay $0x1  }
0x65: {  	[tilespmem:s20+$0x10] =	vst v0  }
0x66: {  	v0 =	vld [tilespmem:s19+$0x10170]  }
0x67: {  	v1 =	vld [tilespmem:s19+$0xF0]  }
0x68: {  	v3 =	vld [tilespmem:s19+$0x100F0]  }
0x69: {  	v4 =	vld [tilespmem:s19+$0x170]  }
0x6a: {  	s22 =	simm.s32 $0xBC0;
	s21 =	simm.s32 $0xC240;
	v2 =	vld [tilespmem:s19+$0x101F0]  }
.LBB2_2:
0x6b: {  	p0 =	sne.s32 s22, $0x2FFC0  }
0x6c: {  	v5 =	vld [tilespmem:s19+$0x1F0];
	s20 =	sadd.s32 $0x80, s20;
	s23 =	smov.u32 s22;
	s22 =	sadd.s32 $0x600, s22  }
0x6d: {  	_ = 	snop  }
0x6e: {  	v1 =	vmul.f32 v1, v3  }
0x6f: {  	v0 =	vmul.f32 v4, v0;
	_ =	sdelay $0x1  }
0x70: {  	v0 =	vadd.f32 v0, v1;
	v1 =	vmul.f32 v5, v2;
	_ =	sdelay $0x1  }
0x71: {  	v0 =	vadd.f32 v1, v0;
	_ =	sdelay $0x1  }
0x72: {  	[tilespmem:s21+$0x20] =	vst v0  }
0x73: {  	v0 =	vld [tilespmem:s19+$0x10200]  }
0x74: {  	v1 =	vld [tilespmem:s19+$0x10100]  }
0x75: {  	v2 =	vld [tilespmem:s19+$0x200]  }
0x76: {  	v3 =	vld [tilespmem:s19+$0x180]  }
0x77: {  	v4 =	vld [tilespmem:s19+$0x100]  }
0x78: {  	v5 =	vld [tilespmem:s19+$0x10180];
	_ =	sdelay $0x3  }
0x79: {  	v0 =	vmul.f32 v2, v0;
	v1 =	vmul.f32 v4, v1  }
0x7a: {  	v2 =	vmul.f32 v3, v5;
	_ =	sdelay $0x1  }
0x7b: {  	v1 =	vadd.f32 v2, v1;
	_ =	sdelay $0x1  }
0x7c: {  	v0 =	vadd.f32 v0, v1;
	_ =	sdelay $0x1  }
0x7d: {  	s19 =	sshra.s32 s23, $0x2;
	[tilespmem:s21+$0x30] =	vst v0;
	s21 =	smov.u32 s20  }
0x7e: {  	v0 =	vld [tilespmem:s19+$0x110]  }
0x7f: {  	v1 =	vld [tilespmem:s19+$0x10090]  }
0x80: {  	v2 =	vld [tilespmem:s19+$0x10110]  }
0x81: {  	v3 =	vld [tilespmem:s19+$0x90]  }
0x82: {  	v4 =	vld [tilespmem:s19+$0x190]  }
0x83: {  	v5 =	vld [tilespmem:s19+$0x10190];
	_ =	sdelay $0x1  }
0x84: {  	v0 =	vmul.f32 v0, v2  }
0x85: {  	v1 =	vmul.f32 v3, v1;
	_ =	sdelay $0x1  }
0x86: {  	v0 =	vadd.f32 v0, v1;
	v1 =	vmul.f32 v4, v5;
	_ =	sdelay $0x1  }
0x87: {  	v0 =	vadd.f32 v1, v0;
	_ =	sdelay $0x1  }
0x88: {  	[tilespmem:s20+$0xFFFFFFC0] =	vst v0  }
0x89: {  	v0 =	vld [tilespmem:s19+$0x100A0]  }
0x8a: {  	v1 =	vld [tilespmem:s19+$0xA0]  }
0x8b: {  	v2 =	vld [tilespmem:s19+$0x10120]  }
0x8c: {  	v3 =	vld [tilespmem:s19+$0x120]  }
0x8d: {  	v4 =	vld [tilespmem:s19+$0x1A0]  }
0x8e: {  	v5 =	vld [tilespmem:s19+$0x101A0]  }
0x8f: {  	v0 =	vmul.f32 v1, v0;
	_ =	sdelay $0x1  }
0x90: {  	v1 =	vmul.f32 v3, v2;
	_ =	sdelay $0x1  }
0x91: {  	v0 =	vadd.f32 v1, v0;
	v1 =	vmul.f32 v4, v5;
	_ =	sdelay $0x1  }
0x92: {  	v0 =	vadd.f32 v1, v0;
	_ =	sdelay $0x1  }
0x93: {  	[tilespmem:s20+$0xFFFFFFD0] =	vst v0  }
0x94: {  	v0 =	vld [tilespmem:s19+$0x10130]  }
0x95: {  	v1 =	vld [tilespmem:s19+$0xB0]  }
0x96: {  	v2 =	vld [tilespmem:s19+$0x100B0]  }
0x97: {  	v3 =	vld [tilespmem:s19+$0x130]  }
0x98: {  	v4 =	vld [tilespmem:s19+$0x101B0]  }
0x99: {  	v5 =	vld [tilespmem:s19+$0x1B0];
	_ =	sdelay $0x1  }
0x9a: {  	v1 =	vmul.f32 v1, v2  }
0x9b: {  	v0 =	vmul.f32 v3, v0;
	_ =	sdelay $0x1  }
0x9c: {  	v0 =	vadd.f32 v0, v1;
	v1 =	vmul.f32 v5, v4;
	_ =	sdelay $0x1  }
0x9d: {  	v0 =	vadd.f32 v1, v0;
	_ =	sdelay $0x1  }
0x9e: {  	[tilespmem:s20+$0xFFFFFFE0] =	vst v0  }
0x9f: {  	v0 =	vld [tilespmem:s19+$0x140]  }
0xa0: {  	v1 =	vld [tilespmem:s19+$0x100C0]  }
0xa1: {  	v2 =	vld [tilespmem:s19+$0xC0]  }
0xa2: {  	v3 =	vld [tilespmem:s19+$0x10140]  }
0xa3: {  	v4 =	vld [tilespmem:s19+$0x1C0]  }
0xa4: {  	v5 =	vld [tilespmem:s19+$0x101C0];
	_ =	sdelay $0x1  }
0xa5: {  	v1 =	vmul.f32 v2, v1  }
0xa6: {  	v0 =	vmul.f32 v0, v3;
	_ =	sdelay $0x1  }
0xa7: {  	v0 =	vadd.f32 v0, v1;
	v1 =	vmul.f32 v4, v5;
	_ =	sdelay $0x1  }
0xa8: {  	v0 =	vadd.f32 v1, v0;
	_ =	sdelay $0x1  }
0xa9: {  	[tilespmem:s20+$0xFFFFFFF0] =	vst v0  }
0xaa: {  	v0 =	vld [tilespmem:s19+$0x150]  }
0xab: {  	v1 =	vld [tilespmem:s19+$0xD0]  }
0xac: {  	v2 =	vld [tilespmem:s19+$0x100D0]  }
0xad: {  	v3 =	vld [tilespmem:s19+$0x10150]  }
0xae: {  	v4 =	vld [tilespmem:s19+$0x101D0]  }
0xaf: {  	v5 =	vld [tilespmem:s19+$0x1D0];
	_ =	sdelay $0x1  }
0xb0: {  	v1 =	vmul.f32 v1, v2  }
0xb1: {  	v0 =	vmul.f32 v0, v3;
	_ =	sdelay $0x1  }
0xb2: {  	v0 =	vadd.f32 v0, v1;
	v1 =	vmul.f32 v5, v4;
	_ =	sdelay $0x1  }
0xb3: {  	v0 =	vadd.f32 v1, v0;
	_ =	sdelay $0x1  }
0xb4: {  	[tilespmem:s20+$0x0] =	vst v0  }
0xb5: {  	v0 =	vld [tilespmem:s19+$0x100E0]  }
0xb6: {  	v1 =	vld [tilespmem:s19+$0xE0]  }
0xb7: {  	v2 =	vld [tilespmem:s19+$0x160]  }
0xb8: {  	v3 =	vld [tilespmem:s19+$0x10160]  }
0xb9: {  	v4 =	vld [tilespmem:s19+$0x101E0]  }
0xba: {  	v5 =	vld [tilespmem:s19+$0x1E0]  }
0xbb: {  	v0 =	vmul.f32 v1, v0;
	_ =	sdelay $0x1  }
0xbc: {  	v1 =	vmul.f32 v2, v3;
	_ =	sdelay $0x1  }
0xbd: {  	v0 =	vadd.f32 v1, v0;
	v1 =	vmul.f32 v5, v4;
	_ =	sdelay $0x1  }
0xbe: {  	v0 =	vadd.f32 v1, v0;
	_ =	sdelay $0x1  }
0xbf: {  	[tilespmem:s20+$0x10] =	vst v0  }
.Ltmp0:
0xc0: {  	v0 =	vld [tilespmem:s19+$0x10170];
	(pc) =	sbr.rel @p0 .LBB2_2-.Ltmp0, $4  }
0xc1: {  	v1 =	vld [tilespmem:s19+$0xF0]  }
0xc2: {  	v3 =	vld [tilespmem:s19+$0x100F0]  }
0xc3: {  	v4 =	vld [tilespmem:s19+$0x170]  }
0xc4: {  	v2 =	vld [tilespmem:s19+$0x101F0]  }
0xc5: {  	v5 =	vld [tilespmem:s19+$0x1F0];
	_ =	sdelay $0x2  }
0xc6: {  	v1 =	vmul.f32 v1, v3;
	v0 =	vmul.f32 v4, v0;
	_ =	sdelay $0x1  }
0xc7: {  	v0 =	vadd.f32 v0, v1;
	v57 =	vmul.f32 v5, v2;
	_ =	sdelay $0x1  }
0xc8: {  	v0 =	vadd.f32 v57, v0;
	_ =	sdelay $0x1  }
0xc9: {  	[tilespmem:s21+$0x20] =	vst v0  }
0xca: {  	v0 =	vld [tilespmem:s19+$0x10100]  }
0xcb: {  	v58 =	vld [tilespmem:s19+$0x180]  }
0xcc: {  	v59 =	vld [tilespmem:s19+$0x100]  }
0xcd: {  	v60 =	vld [tilespmem:s19+$0x10180]  }
0xce: {  	v61 =	vld [tilespmem:s19+$0x10200]  }
0xcf: {  	v62 =	vld [tilespmem:s19+$0x200];
	_ =	sdelay $0x2  }
0xd0: {  	v0 =	vmul.f32 v59, v0;
	v1 =	vmul.f32 v58, v60;
	_ =	sdelay $0x1  }
0xd1: {  	v63 =	vmul.f32 v62, v61;
	v0 =	vadd.f32 v1, v0;
	_ =	sdelay $0x1  }
0xd2: {  	s18 =	sadd.s32 $0x1, s18;
	v0 =	vadd.f32 v63, v0  }
0xd3: {  	p0 =	sne.s32 s18, s8  }
.Ltmp1:
0xd4: {  	[tilespmem:s21+$0x30] =	vst v0;
	(pc) =	sbr.rel @p0 .LBB2_1-.Ltmp1, $4  }
0xd5: {  	[hbm4b:s7+s3] =	stream.linear.scatter [tilespmem:s17], [sflag:$0x2], $0x4000, $0x38;
	[tilespmem:$0x1C200] =	vst v63  }
0xd6: {  	_ =	swait.ge [sflag:s9], $0x4000  }
0xd7: {  	[sflag:s9] =	ssyncset.done $0x0  }
0xd8: {  	[sflag:s9] =	ssyncadd.s32 $0xFFFFC000  }
0xd9: {  	_ =	sfence.sel $0x180000  }
0xda: {  	[bflag:$0x0] =	sbarrier.arrive $0xFFFF  }
0xdb: {  	p0 =	sne.s32 s0, $0x0;
	_ =	strace $0x90000050  }
0xdc: {  	s0 =	sadd.s32 @!p0 $0x100000, s2;
	[bflag:$0x2] =	sbarrier.arrive $0xFFFF  }
0xdd: {  	[sflag:s0] =	ssyncadd.tile.s32 @!p0 $0x1;
	_ =	shalt  }
.Lfunc_end2:
_tile_overlayer_lowered:
.L_overlay_start_2:
0xde: {  	(tag) =	ssettag $0x2  }
0xdf: {  	s0 =	rddreg [dreg:$0x0];
	s2 =	stileid.u32  }
0xe0: {  	s1 =	rddreg [dreg:$0x1];
	p0 =	sne.s32 s2, $0x0  }
0xe1: {  	s3 =	rddreg [dreg:$0x2];
	[bflag:$0x3] =	sbarrier.arrive $0xFFFF;
	s2 =	simm.s32 @!p0 $0x1C02  }
0xe2: {  	[timem:s3], [sflag:s2] =	dma.local @!p0 [hbm:s0], s1  }
0xe3: {  	s0 =	simm.s32 @!p0 $0x2  }
0xe4: {  	_ =	swait.ge @!p0 [sflag:s0], s1  }
0xe5: {  	s1 =	ssub.s32 @!p0 $0x0, s1;
	[sflag:s0] =	ssyncset.done @!p0 $0x0  }
0xe6: {  	[sflag:s0] =	ssyncadd.s32 @!p0 s1  }
0xe7: {  	[bflag:$0x3] =	sbarrier.arrive $0xFFFF  }
0xe8: {  	_ =	shalt  }

</sc_bundles>
